<compile_context>
chip_gen: v7x
topology: tpu7x:2x2x1
jax: 0.10.2.dev20260603
libtpu: 0.0.44.dev20260713+nightly
codegen_flags: <defaults>
</compile_context>

<pallas_src>
import functools

import jax
import jax.numpy as jnp
from jax import lax
from jax.experimental import pallas as pl
from jax.experimental.pallas import tpu as pltpu
from jax.experimental.pallas import tpu_sc as plsc

CHUNK = 128
NBUF = 5


@functools.lru_cache(maxsize=None)
def _make_gather(num_ids: int, vocab: int, dim: int):
  info = plsc.get_sparse_core_info()
  nc, ns = info.num_cores, info.num_subcores
  nw = nc * ns
  assert num_ids % (nw * CHUNK) == 0
  n_chunks = num_ids // (nw * CHUNK)
  assert n_chunks % NBUF == 0

  mesh = plsc.VectorSubcoreMesh(core_axis_name="c", subcore_axis_name="s")

  @functools.partial(
      pl.kernel,
      mesh=mesh,
      out_type=jax.ShapeDtypeStruct((num_ids, dim), jnp.float32),
      scratch_types=[
          pltpu.VMEM((n_chunks, CHUNK), jnp.int32),
          pltpu.VMEM((NBUF, CHUNK, dim), jnp.float32),
          pltpu.SemaphoreType.DMA((NBUF,)),
          pltpu.SemaphoreType.DMA((NBUF,)),
      ],
  )
  def gather_kernel(ids_hbm, table_hbm, out_hbm, idx_v, rows_v, gsem, ssem):
    wid = lax.axis_index("s") * nc + lax.axis_index("c")
    base = wid * n_chunks
    pltpu.sync_copy(ids_hbm.at[pl.ds(base, n_chunks)], idx_v)

    def gather_copy(j, b):
      return pltpu.make_async_copy(
          table_hbm.at[idx_v.at[j]], rows_v.at[b], gsem.at[b])

    def store_copy(j, b):
      return pltpu.make_async_copy(
          rows_v.at[b], out_hbm.at[pl.ds((base + j) * CHUNK, CHUNK)],
          ssem.at[b])

    for b in range(NBUF):
      gather_copy(b, b).start()

    def outer(i, carry):
      g = i * NBUF
      for b in range(NBUF):
        j = g + b
        bp = (b - 1) % NBUF
        gather_copy(j, b).wait()
        store_copy(j, b).start()

        @pl.when(j >= 1)
        def _():
          store_copy(j - 1, bp).wait()

        @pl.when(jnp.logical_and(j >= 1, j < n_chunks + 1 - NBUF))
        def _():
          gather_copy(j - 1 + NBUF, bp).start()

      return carry

    lax.fori_loop(0, n_chunks // NBUF, outer, 0)
    store_copy(n_chunks - 1, (n_chunks - 1) % NBUF).wait()

  return gather_kernel


def kernel(input_ids, embed_table):
  batch, seq = input_ids.shape
  vocab, dim = embed_table.shape
  num_ids = batch * seq
  ids = input_ids.reshape(num_ids // CHUNK, CHUNK).astype(jnp.int32)
  out = _make_gather(num_ids, vocab, dim)(ids, embed_table)
  return out.reshape(batch, seq, dim)

# --- scband reference (transcript-rebuilt; emitter-appended) ---
"""Pipeline reference for scband-fake-decoder-63324997812860 (READ-ONLY COPY).

The authoritative reference and input builder live on the scoring server;
editing this copy changes nothing except your own understanding.
"""

import jax, jax.numpy as jnp
import numpy as np

VOCAB = 100000
EMBED_DIM = 128
BATCH = 4096
SEQ = 200

def setup_inputs(seed: int = 0) -> dict:
    key = jax.random.key(seed)
    k_ids, k_tab = jax.random.split(key)
    input_ids = jax.random.randint(k_ids, (BATCH, SEQ), 0, VOCAB, dtype=jnp.int64) if jax.config.jax_enable_x64 else jax.random.randint(k_ids, (BATCH, SEQ), 0, VOCAB, dtype=jnp.int32)
    embed_table = jax.random.normal(k_tab, (VOCAB, EMBED_DIM), dtype=jnp.float32) * 0.02
    return {"input_ids": input_ids, "embed_table": embed_table}

def reference(input_ids, embed_table):
    # _FakeDecoder.forward with inputs_embeds=None: hidden_states = embed_tokens(input_ids)
    hidden_states = jnp.take(embed_table, input_ids, axis=0)
    return hidden_states

if __name__ == "__main__":
    import jax
    _d = setup_inputs()
    print(jax.jit(kernel)(*tuple(_d.values())))

</pallas_src>

<mosaic_0001>
#map = affine_map<(d0, d1) -> (0, 0)>
module attributes {stable_mosaic.version = 14 : i64} {
  func.func @gather_kernel(%arg0: i32, %arg1: i32, %arg2: memref<6400x128xi32, #tpu.memory_space<hbm>>, %arg3: memref<100000x128xf32, #tpu.memory_space<hbm>>, %arg4: memref<819200x128xf32, #tpu.memory_space<hbm>>, %arg5: memref<200x128xi32, #tpu.memory_space<vmem>>, %arg6: memref<5x128x128xf32, #tpu.memory_space<vmem>>, %arg7: memref<5x!tpu.dma_semaphore, #tpu.memory_space<semaphore_mem>>, %arg8: memref<5x!tpu.dma_semaphore, #tpu.memory_space<semaphore_mem>>) attributes {dimension_semantics = [#tpu.dimension_semantics<core_parallel>, #tpu.dimension_semantics<subcore_parallel>], iteration_bounds = array<i64: 2, 16>, scalar_prefetch = 0 : i64, scratch_operands = 4 : i64, tpu.core_type = #tpu.core_type<sc_vector_subcore>, window_params = [{transform_indices = #map}, {transform_indices = #map}, {transform_indices = #map}]} {
    %mul3A = arith.constant 2 : i32
    %mul3A_0 = arith.muli %arg1, %mul3A : i32
    %add3A = arith.addi %mul3A_0, %arg0 : i32
    %mul3A_1 = arith.constant 200 : i32
    %mul3A_2 = arith.muli %add3A, %mul3A_1 : i32
    "tpu.region"() ({
      %run_scoped3A = tpu.sem_alloc : memref<!tpu.dma_semaphore, #tpu.memory_space<semaphore_mem>>
      %dma_start3A_101 = arith.constant 0 : i32
      %dma_start3A_102 = tpu.memref_slice %arg2[%mul3A_2, %dma_start3A_101] : memref<6400x128xi32, #tpu.memory_space<hbm>> -> memref<200x128xi32, #tpu.memory_space<hbm>>
      %dma_start3A_103 = arith.constant 0 : i32
      %dma_start3A_104 = tpu.memref_slice %arg2[%mul3A_2, %dma_start3A_103] : memref<6400x128xi32, #tpu.memory_space<hbm>> -> memref<200x128xi32, #tpu.memory_space<hbm>>
      tpu.enqueue_dma source(%dma_start3A_104 : memref<200x128xi32, #tpu.memory_space<hbm>>) target(%arg5 : memref<200x128xi32, #tpu.memory_space<vmem>>) target_semaphore(%run_scoped3A : memref<!tpu.dma_semaphore, #tpu.memory_space<semaphore_mem>>)
      %dma_wait3A_105 = arith.constant 0 : i32
      %dma_wait3A_106 = tpu.memref_slice %arg2[%mul3A_2, %dma_wait3A_105] : memref<6400x128xi32, #tpu.memory_space<hbm>> -> memref<200x128xi32, #tpu.memory_space<hbm>>
      %dma_wait3A_107 = arith.constant 0 : i32
      %dma_wait3A_108 = tpu.memref_slice %arg2[%mul3A_2, %dma_wait3A_107] : memref<6400x128xi32, #tpu.memory_space<hbm>> -> memref<200x128xi32, #tpu.memory_space<hbm>>
      tpu.wait_dma2 semaphore(%run_scoped3A : memref<!tpu.dma_semaphore, #tpu.memory_space<semaphore_mem>>) src(%dma_wait3A_108 : memref<200x128xi32, #tpu.memory_space<hbm>>) dst(%arg5 : memref<200x128xi32, #tpu.memory_space<vmem>>)
      tpu.yield
    }) : () -> ()
    %dma_start3A = arith.constant 0 : i32
    %dma_start3A_3 = arith.constant 0 : i32
    %dma_start3A_4 = arith.constant 0 : i32
    %dma_start3A_5 = arith.constant 0 : i32
    %dma_start3A_6 = arith.constant 0 : i32
    %dma_start3A_7 = tpu.memref_slice %arg6[%dma_start3A_3, %dma_start3A_5, %dma_start3A_6] : memref<5x128x128xf32, #tpu.memory_space<vmem>> -> memref<1x128x128xf32, #tpu.memory_space<vmem>>
    %dma_start3A_8 = tpu.memref_squeeze %dma_start3A_7 : memref<1x128x128xf32, #tpu.memory_space<vmem>> -> memref<128x128xf32, #tpu.memory_space<vmem>>
    %dma_start3A_9 = arith.constant 0 : i32
    %dma_start3A_10 = tpu.memref_slice %arg5[%dma_start3A, %dma_start3A_9] : memref<200x128xi32, #tpu.memory_space<vmem>> -> memref<1x128xi32, #tpu.memory_space<vmem>>
    %dma_start3A_11 = tpu.memref_squeeze %dma_start3A_10 : memref<1x128xi32, #tpu.memory_space<vmem>> -> memref<128xi32, #tpu.memory_space<vmem>>
    %dma_start3A_12 = arith.constant 0 : i32
    %dma_start3A_13 = arith.constant 0 : i32
    %dma_start3A_14 = tpu.memref_slice %arg3[%dma_start3A_12, %dma_start3A_13] : memref<100000x128xf32, #tpu.memory_space<hbm>> -> memref<100000x128xf32, #tpu.memory_space<hbm>>
    %dma_start3A_15 = tpu.memref_slice %arg7[%dma_start3A_4] : memref<5x!tpu.dma_semaphore, #tpu.memory_space<semaphore_mem>> -> memref<1x!tpu.dma_semaphore, #tpu.memory_space<semaphore_mem>>
    %dma_start3A_16 = tpu.memref_squeeze %dma_start3A_15 : memref<1x!tpu.dma_semaphore, #tpu.memory_space<semaphore_mem>> -> memref<!tpu.dma_semaphore, #tpu.memory_space<semaphore_mem>>
    tpu.enqueue_indirect_dma source(%dma_start3A_14 : memref<100000x128xf32, #tpu.memory_space<hbm>>) target(%dma_start3A_8 : memref<128x128xf32, #tpu.memory_space<vmem>>) offsets(%dma_start3A_11 : memref<128xi32, #tpu.memory_space<vmem>>) semaphore(%dma_start3A_16 : memref<!tpu.dma_semaphore, #tpu.memory_space<semaphore_mem>>)
    %dma_start3A_17 = arith.constant 1 : i32
    %dma_start3A_18 = arith.constant 1 : i32
    %dma_start3A_19 = arith.constant 1 : i32
    %dma_start3A_20 = arith.constant 0 : i32
    %dma_start3A_21 = arith.constant 0 : i32
    %dma_start3A_22 = tpu.memref_slice %arg6[%dma_start3A_18, %dma_start3A_20, %dma_start3A_21] : memref<5x128x128xf32, #tpu.memory_space<vmem>> -> memref<1x128x128xf32, #tpu.memory_space<vmem>>
    %dma_start3A_23 = tpu.memref_squeeze %dma_start3A_22 : memref<1x128x128xf32, #tpu.memory_space<vmem>> -> memref<128x128xf32, #tpu.memory_space<vmem>>
    %dma_start3A_24 = arith.constant 0 : i32
    %dma_start3A_25 = tpu.memref_slice %arg5[%dma_start3A_17, %dma_start3A_24] : memref<200x128xi32, #tpu.memory_space<vmem>> -> memref<1x128xi32, #tpu.memory_space<vmem>>
    %dma_start3A_26 = tpu.memref_squeeze %dma_start3A_25 : memref<1x128xi32, #tpu.memory_space<vmem>> -> memref<128xi32, #tpu.memory_space<vmem>>
    %dma_start3A_27 = arith.constant 0 : i32
    %dma_start3A_28 = arith.constant 0 : i32
    %dma_start3A_29 = tpu.memref_slice %arg3[%dma_start3A_27, %dma_start3A_28] : memref<100000x128xf32, #tpu.memory_space<hbm>> -> memref<100000x128xf32, #tpu.memory_space<hbm>>
    %dma_start3A_30 = tpu.memref_slice %arg7[%dma_start3A_19] : memref<5x!tpu.dma_semaphore, #tpu.memory_space<semaphore_mem>> -> memref<1x!tpu.dma_semaphore, #tpu.memory_space<semaphore_mem>>
    %dma_start3A_31 = tpu.memref_squeeze %dma_start3A_30 : memref<1x!tpu.dma_semaphore, #tpu.memory_space<semaphore_mem>> -> memref<!tpu.dma_semaphore, #tpu.memory_space<semaphore_mem>>
    tpu.enqueue_indirect_dma source(%dma_start3A_29 : memref<100000x128xf32, #tpu.memory_space<hbm>>) target(%dma_start3A_23 : memref<128x128xf32, #tpu.memory_space<vmem>>) offsets(%dma_start3A_26 : memref<128xi32, #tpu.memory_space<vmem>>) semaphore(%dma_start3A_31 : memref<!tpu.dma_semaphore, #tpu.memory_space<semaphore_mem>>)
    %dma_start3A_32 = arith.constant 2 : i32
    %dma_start3A_33 = arith.constant 2 : i32
    %dma_start3A_34 = arith.constant 2 : i32
    %dma_start3A_35 = arith.constant 0 : i32
    %dma_start3A_36 = arith.constant 0 : i32
    %dma_start3A_37 = tpu.memref_slice %arg6[%dma_start3A_33, %dma_start3A_35, %dma_start3A_36] : memref<5x128x128xf32, #tpu.memory_space<vmem>> -> memref<1x128x128xf32, #tpu.memory_space<vmem>>
    %dma_start3A_38 = tpu.memref_squeeze %dma_start3A_37 : memref<1x128x128xf32, #tpu.memory_space<vmem>> -> memref<128x128xf32, #tpu.memory_space<vmem>>
    %dma_start3A_39 = arith.constant 0 : i32
    %dma_start3A_40 = tpu.memref_slice %arg5[%dma_start3A_32, %dma_start3A_39] : memref<200x128xi32, #tpu.memory_space<vmem>> -> memref<1x128xi32, #tpu.memory_space<vmem>>
    %dma_start3A_41 = tpu.memref_squeeze %dma_start3A_40 : memref<1x128xi32, #tpu.memory_space<vmem>> -> memref<128xi32, #tpu.memory_space<vmem>>
    %dma_start3A_42 = arith.constant 0 : i32
    %dma_start3A_43 = arith.constant 0 : i32
    %dma_start3A_44 = tpu.memref_slice %arg3[%dma_start3A_42, %dma_start3A_43] : memref<100000x128xf32, #tpu.memory_space<hbm>> -> memref<100000x128xf32, #tpu.memory_space<hbm>>
    %dma_start3A_45 = tpu.memref_slice %arg7[%dma_start3A_34] : memref<5x!tpu.dma_semaphore, #tpu.memory_space<semaphore_mem>> -> memref<1x!tpu.dma_semaphore, #tpu.memory_space<semaphore_mem>>
    %dma_start3A_46 = tpu.memref_squeeze %dma_start3A_45 : memref<1x!tpu.dma_semaphore, #tpu.memory_space<semaphore_mem>> -> memref<!tpu.dma_semaphore, #tpu.memory_space<semaphore_mem>>
    tpu.enqueue_indirect_dma source(%dma_start3A_44 : memref<100000x128xf32, #tpu.memory_space<hbm>>) target(%dma_start3A_38 : memref<128x128xf32, #tpu.memory_space<vmem>>) offsets(%dma_start3A_41 : memref<128xi32, #tpu.memory_space<vmem>>) semaphore(%dma_start3A_46 : memref<!tpu.dma_semaphore, #tpu.memory_space<semaphore_mem>>)
    %dma_start3A_47 = arith.constant 3 : i32
    %dma_start3A_48 = arith.constant 3 : i32
    %dma_start3A_49 = arith.constant 3 : i32
    %dma_start3A_50 = arith.constant 0 : i32
    %dma_start3A_51 = arith.constant 0 : i32
    %dma_start3A_52 = tpu.memref_slice %arg6[%dma_start3A_48, %dma_start3A_50, %dma_start3A_51] : memref<5x128x128xf32, #tpu.memory_space<vmem>> -> memref<1x128x128xf32, #tpu.memory_space<vmem>>
    %dma_start3A_53 = tpu.memref_squeeze %dma_start3A_52 : memref<1x128x128xf32, #tpu.memory_space<vmem>> -> memref<128x128xf32, #tpu.memory_space<vmem>>
    %dma_start3A_54 = arith.constant 0 : i32
    %dma_start3A_55 = tpu.memref_slice %arg5[%dma_start3A_47, %dma_start3A_54] : memref<200x128xi32, #tpu.memory_space<vmem>> -> memref<1x128xi32, #tpu.memory_space<vmem>>
    %dma_start3A_56 = tpu.memref_squeeze %dma_start3A_55 : memref<1x128xi32, #tpu.memory_space<vmem>> -> memref<128xi32, #tpu.memory_space<vmem>>
    %dma_start3A_57 = arith.constant 0 : i32
    %dma_start3A_58 = arith.constant 0 : i32
    %dma_start3A_59 = tpu.memref_slice %arg3[%dma_start3A_57, %dma_start3A_58] : memref<100000x128xf32, #tpu.memory_space<hbm>> -> memref<100000x128xf32, #tpu.memory_space<hbm>>
    %dma_start3A_60 = tpu.memref_slice %arg7[%dma_start3A_49] : memref<5x!tpu.dma_semaphore, #tpu.memory_space<semaphore_mem>> -> memref<1x!tpu.dma_semaphore, #tpu.memory_space<semaphore_mem>>
    %dma_start3A_61 = tpu.memref_squeeze %dma_start3A_60 : memref<1x!tpu.dma_semaphore, #tpu.memory_space<semaphore_mem>> -> memref<!tpu.dma_semaphore, #tpu.memory_space<semaphore_mem>>
    tpu.enqueue_indirect_dma source(%dma_start3A_59 : memref<100000x128xf32, #tpu.memory_space<hbm>>) target(%dma_start3A_53 : memref<128x128xf32, #tpu.memory_space<vmem>>) offsets(%dma_start3A_56 : memref<128xi32, #tpu.memory_space<vmem>>) semaphore(%dma_start3A_61 : memref<!tpu.dma_semaphore, #tpu.memory_space<semaphore_mem>>)
    %dma_start3A_62 = arith.constant 4 : i32
    %dma_start3A_63 = arith.constant 4 : i32
    %dma_start3A_64 = arith.constant 4 : i32
    %dma_start3A_65 = arith.constant 0 : i32
    %dma_start3A_66 = arith.constant 0 : i32
    %dma_start3A_67 = tpu.memref_slice %arg6[%dma_start3A_63, %dma_start3A_65, %dma_start3A_66] : memref<5x128x128xf32, #tpu.memory_space<vmem>> -> memref<1x128x128xf32, #tpu.memory_space<vmem>>
    %dma_start3A_68 = tpu.memref_squeeze %dma_start3A_67 : memref<1x128x128xf32, #tpu.memory_space<vmem>> -> memref<128x128xf32, #tpu.memory_space<vmem>>
    %dma_start3A_69 = arith.constant 0 : i32
    %dma_start3A_70 = tpu.memref_slice %arg5[%dma_start3A_62, %dma_start3A_69] : memref<200x128xi32, #tpu.memory_space<vmem>> -> memref<1x128xi32, #tpu.memory_space<vmem>>
    %dma_start3A_71 = tpu.memref_squeeze %dma_start3A_70 : memref<1x128xi32, #tpu.memory_space<vmem>> -> memref<128xi32, #tpu.memory_space<vmem>>
    %dma_start3A_72 = arith.constant 0 : i32
    %dma_start3A_73 = arith.constant 0 : i32
    %dma_start3A_74 = tpu.memref_slice %arg3[%dma_start3A_72, %dma_start3A_73] : memref<100000x128xf32, #tpu.memory_space<hbm>> -> memref<100000x128xf32, #tpu.memory_space<hbm>>
    %dma_start3A_75 = tpu.memref_slice %arg7[%dma_start3A_64] : memref<5x!tpu.dma_semaphore, #tpu.memory_space<semaphore_mem>> -> memref<1x!tpu.dma_semaphore, #tpu.memory_space<semaphore_mem>>
    %dma_start3A_76 = tpu.memref_squeeze %dma_start3A_75 : memref<1x!tpu.dma_semaphore, #tpu.memory_space<semaphore_mem>> -> memref<!tpu.dma_semaphore, #tpu.memory_space<semaphore_mem>>
    tpu.enqueue_indirect_dma source(%dma_start3A_74 : memref<100000x128xf32, #tpu.memory_space<hbm>>) target(%dma_start3A_68 : memref<128x128xf32, #tpu.memory_space<vmem>>) offsets(%dma_start3A_71 : memref<128xi32, #tpu.memory_space<vmem>>) semaphore(%dma_start3A_76 : memref<!tpu.dma_semaphore, #tpu.memory_space<semaphore_mem>>)
    %scan3A = arith.constant 0 : i32
    %scan3A_77 = arith.constant 0 : i32
    %scan3A_78 = arith.constant 40 : i32
    %scan3A_79 = arith.addi %scan3A_77, %scan3A_78 : i32
    %scan3A_80 = arith.constant 1 : i32
    scf.for %scan3A_101 = %scan3A_77 to %scan3A_79 step %scan3A_80  : i32 {
      %mul3A_102 = arith.constant 5 : i32
      %mul3A_103 = arith.muli %scan3A_101, %mul3A_102 : i32
      %add3A_104 = arith.constant 0 : i32
      %add3A_105 = arith.addi %mul3A_103, %add3A_104 : i32
      %dma_wait3A_106 = arith.constant 0 : i32
      %dma_wait3A_107 = arith.constant 0 : i32
      %dma_wait3A_108 = arith.constant 0 : i32
      %dma_wait3A_109 = arith.constant 0 : i32
      %dma_wait3A_110 = tpu.memref_slice %arg6[%dma_wait3A_106, %dma_wait3A_108, %dma_wait3A_109] : memref<5x128x128xf32, #tpu.memory_space<vmem>> -> memref<1x128x128xf32, #tpu.memory_space<vmem>>
      %dma_wait3A_111 = tpu.memref_squeeze %dma_wait3A_110 : memref<1x128x128xf32, #tpu.memory_space<vmem>> -> memref<128x128xf32, #tpu.memory_space<vmem>>
      %dma_wait3A_112 = arith.constant 0 : i32
      %dma_wait3A_113 = tpu.memref_slice %arg5[%add3A_105, %dma_wait3A_112] : memref<200x128xi32, #tpu.memory_space<vmem>> -> memref<1x128xi32, #tpu.memory_space<vmem>>
      %dma_wait3A_114 = tpu.memref_squeeze %dma_wait3A_113 : memref<1x128xi32, #tpu.memory_space<vmem>> -> memref<128xi32, #tpu.memory_space<vmem>>
      %dma_wait3A_115 = arith.constant 0 : i32
      %dma_wait3A_116 = arith.constant 0 : i32
      %dma_wait3A_117 = tpu.memref_slice %arg3[%dma_wait3A_115, %dma_wait3A_116] : memref<100000x128xf32, #tpu.memory_space<hbm>> -> memref<100000x128xf32, #tpu.memory_space<hbm>>
      %dma_wait3A_118 = tpu.memref_slice %arg7[%dma_wait3A_107] : memref<5x!tpu.dma_semaphore, #tpu.memory_space<semaphore_mem>> -> memref<1x!tpu.dma_semaphore, #tpu.memory_space<semaphore_mem>>
      %dma_wait3A_119 = tpu.memref_squeeze %dma_wait3A_118 : memref<1x!tpu.dma_semaphore, #tpu.memory_space<semaphore_mem>> -> memref<!tpu.dma_semaphore, #tpu.memory_space<semaphore_mem>>
      tpu.wait_indirect_dma semaphore(%dma_wait3A_119 : memref<!tpu.dma_semaphore, #tpu.memory_space<semaphore_mem>>) src(%dma_wait3A_117 : memref<100000x128xf32, #tpu.memory_space<hbm>>) dst(%dma_wait3A_111 : memref<128x128xf32, #tpu.memory_space<vmem>>)
      %add3A_120 = arith.addi %mul3A_2, %add3A_105 : i32
      %mul3A_121 = arith.constant 128 : i32
      %mul3A_122 = arith.muli %add3A_120, %mul3A_121 : i32
      %dma_start3A_123 = arith.constant 0 : i32
      %dma_start3A_124 = arith.constant 0 : i32
      %dma_start3A_125 = arith.constant 0 : i32
      %dma_start3A_126 = arith.constant 0 : i32
      %dma_start3A_127 = tpu.memref_slice %arg6[%dma_start3A_123, %dma_start3A_125, %dma_start3A_126] : memref<5x128x128xf32, #tpu.memory_space<vmem>> -> memref<1x128x128xf32, #tpu.memory_space<vmem>>
      %dma_start3A_128 = tpu.memref_squeeze %dma_start3A_127 : memref<1x128x128xf32, #tpu.memory_space<vmem>> -> memref<128x128xf32, #tpu.memory_space<vmem>>
      %dma_start3A_129 = arith.constant 0 : i32
      %dma_start3A_130 = tpu.memref_slice %arg4[%mul3A_122, %dma_start3A_129] : memref<819200x128xf32, #tpu.memory_space<hbm>> -> memref<128x128xf32, #tpu.memory_space<hbm>>
      %dma_start3A_131 = tpu.memref_slice %arg8[%dma_start3A_124] : memref<5x!tpu.dma_semaphore, #tpu.memory_space<semaphore_mem>> -> memref<1x!tpu.dma_semaphore, #tpu.memory_space<semaphore_mem>>
      %dma_start3A_132 = tpu.memref_squeeze %dma_start3A_131 : memref<1x!tpu.dma_semaphore, #tpu.memory_space<semaphore_mem>> -> memref<!tpu.dma_semaphore, #tpu.memory_space<semaphore_mem>>
      %dma_start3A_133 = arith.constant 0 : i32
      %dma_start3A_134 = tpu.memref_slice %arg4[%mul3A_122, %dma_start3A_133] : memref<819200x128xf32, #tpu.memory_space<hbm>> -> memref<128x128xf32, #tpu.memory_space<hbm>>
      %dma_start3A_135 = arith.constant 0 : i32
      %dma_start3A_136 = arith.constant 0 : i32
      %dma_start3A_137 = tpu.memref_slice %arg6[%dma_start3A_123, %dma_start3A_135, %dma_start3A_136] : memref<5x128x128xf32, #tpu.memory_space<vmem>> -> memref<1x128x128xf32, #tpu.memory_space<vmem>>
      %dma_start3A_138 = tpu.memref_squeeze %dma_start3A_137 : memref<1x128x128xf32, #tpu.memory_space<vmem>> -> memref<128x128xf32, #tpu.memory_space<vmem>>
      tpu.enqueue_dma source(%dma_start3A_138 : memref<128x128xf32, #tpu.memory_space<vmem>>) target(%dma_start3A_134 : memref<128x128xf32, #tpu.memory_space<hbm>>) target_semaphore(%dma_start3A_132 : memref<!tpu.dma_semaphore, #tpu.memory_space<semaphore_mem>>)
      %ge3A = arith.constant 1 : i32
      %ge3A_139 = arith.cmpi sge, %add3A_105, %ge3A : i32
      %convert_element_type3A = arith.extui %ge3A_139 : i1 to i32
      %cond3A = arith.constant 0 : i32
      %cond3A_140 = arith.cmpi ne, %convert_element_type3A, %cond3A : i32
      scf.if %cond3A_140 {
        %sub3A = arith.constant 1 : i32
        %sub3A_339 = arith.subi %add3A_105, %sub3A : i32
        %add3A_340 = arith.addi %mul3A_2, %sub3A_339 : i32
        %mul3A_341 = arith.constant 128 : i32
        %mul3A_342 = arith.muli %add3A_340, %mul3A_341 : i32
        %dma_wait3A_343 = arith.constant 4 : i32
        %dma_wait3A_344 = arith.constant 4 : i32
        %dma_wait3A_345 = arith.constant 0 : i32
        %dma_wait3A_346 = arith.constant 0 : i32
        %dma_wait3A_347 = tpu.memref_slice %arg6[%dma_wait3A_343, %dma_wait3A_345, %dma_wait3A_346] : memref<5x128x128xf32, #tpu.memory_space<vmem>> -> memref<1x128x128xf32, #tpu.memory_space<vmem>>
        %dma_wait3A_348 = tpu.memref_squeeze %dma_wait3A_347 : memref<1x128x128xf32, #tpu.memory_space<vmem>> -> memref<128x128xf32, #tpu.memory_space<vmem>>
        %dma_wait3A_349 = arith.constant 0 : i32
        %dma_wait3A_350 = tpu.memref_slice %arg4[%mul3A_342, %dma_wait3A_349] : memref<819200x128xf32, #tpu.memory_space<hbm>> -> memref<128x128xf32, #tpu.memory_space<hbm>>
        %dma_wait3A_351 = tpu.memref_slice %arg8[%dma_wait3A_344] : memref<5x!tpu.dma_semaphore, #tpu.memory_space<semaphore_mem>> -> memref<1x!tpu.dma_semaphore, #tpu.memory_space<semaphore_mem>>
        %dma_wait3A_352 = tpu.memref_squeeze %dma_wait3A_351 : memref<1x!tpu.dma_semaphore, #tpu.memory_space<semaphore_mem>> -> memref<!tpu.dma_semaphore, #tpu.memory_space<semaphore_mem>>
        %dma_wait3A_353 = arith.constant 0 : i32
        %dma_wait3A_354 = tpu.memref_slice %arg4[%mul3A_342, %dma_wait3A_353] : memref<819200x128xf32, #tpu.memory_space<hbm>> -> memref<128x128xf32, #tpu.memory_space<hbm>>
        %dma_wait3A_355 = arith.constant 0 : i32
        %dma_wait3A_356 = arith.constant 0 : i32
        %dma_wait3A_357 = tpu.memref_slice %arg6[%dma_wait3A_343, %dma_wait3A_355, %dma_wait3A_356] : memref<5x128x128xf32, #tpu.memory_space<vmem>> -> memref<1x128x128xf32, #tpu.memory_space<vmem>>
        %dma_wait3A_358 = tpu.memref_squeeze %dma_wait3A_357 : memref<1x128x128xf32, #tpu.memory_space<vmem>> -> memref<128x128xf32, #tpu.memory_space<vmem>>
        tpu.wait_dma2 semaphore(%dma_wait3A_352 : memref<!tpu.dma_semaphore, #tpu.memory_space<semaphore_mem>>) src(%dma_wait3A_358 : memref<128x128xf32, #tpu.memory_space<vmem>>) dst(%dma_wait3A_354 : memref<128x128xf32, #tpu.memory_space<hbm>>)
      } else {
      }
      %ge3A_141 = arith.constant 1 : i32
      %ge3A_142 = arith.cmpi sge, %add3A_105, %ge3A_141 : i32
      %lt3A = arith.constant 196 : i32
      %lt3A_143 = arith.cmpi slt, %add3A_105, %lt3A : i32
      %and3A = arith.andi %ge3A_142, %lt3A_143 : i1
      %convert_element_type3A_144 = arith.extui %and3A : i1 to i32
      %cond3A_145 = arith.constant 0 : i32
      %cond3A_146 = arith.cmpi ne, %convert_element_type3A_144, %cond3A_145 : i32
      scf.if %cond3A_146 {
        %sub3A = arith.constant 1 : i32
        %sub3A_339 = arith.subi %add3A_105, %sub3A : i32
        %add3A_340 = arith.constant 5 : i32
        %add3A_341 = arith.addi %sub3A_339, %add3A_340 : i32
        %dma_start3A_342 = arith.constant 4 : i32
        %dma_start3A_343 = arith.constant 4 : i32
        %dma_start3A_344 = arith.constant 0 : i32
        %dma_start3A_345 = arith.constant 0 : i32
        %dma_start3A_346 = tpu.memref_slice %arg6[%dma_start3A_342, %dma_start3A_344, %dma_start3A_345] : memref<5x128x128xf32, #tpu.memory_space<vmem>> -> memref<1x128x128xf32, #tpu.memory_space<vmem>>
        %dma_start3A_347 = tpu.memref_squeeze %dma_start3A_346 : memref<1x128x128xf32, #tpu.memory_space<vmem>> -> memref<128x128xf32, #tpu.memory_space<vmem>>
        %dma_start3A_348 = arith.constant 0 : i32
        %dma_start3A_349 = tpu.memref_slice %arg5[%add3A_341, %dma_start3A_348] : memref<200x128xi32, #tpu.memory_space<vmem>> -> memref<1x128xi32, #tpu.memory_space<vmem>>
        %dma_start3A_350 = tpu.memref_squeeze %dma_start3A_349 : memref<1x128xi32, #tpu.memory_space<vmem>> -> memref<128xi32, #tpu.memory_space<vmem>>
        %dma_start3A_351 = arith.constant 0 : i32
        %dma_start3A_352 = arith.constant 0 : i32
        %dma_start3A_353 = tpu.memref_slice %arg3[%dma_start3A_351, %dma_start3A_352] : memref<100000x128xf32, #tpu.memory_space<hbm>> -> memref<100000x128xf32, #tpu.memory_space<hbm>>
        %dma_start3A_354 = tpu.memref_slice %arg7[%dma_start3A_343] : memref<5x!tpu.dma_semaphore, #tpu.memory_space<semaphore_mem>> -> memref<1x!tpu.dma_semaphore, #tpu.memory_space<semaphore_mem>>
        %dma_start3A_355 = tpu.memref_squeeze %dma_start3A_354 : memref<1x!tpu.dma_semaphore, #tpu.memory_space<semaphore_mem>> -> memref<!tpu.dma_semaphore, #tpu.memory_space<semaphore_mem>>
        tpu.enqueue_indirect_dma source(%dma_start3A_353 : memref<100000x128xf32, #tpu.memory_space<hbm>>) target(%dma_start3A_347 : memref<128x128xf32, #tpu.memory_space<vmem>>) offsets(%dma_start3A_350 : memref<128xi32, #tpu.memory_space<vmem>>) semaphore(%dma_start3A_355 : memref<!tpu.dma_semaphore, #tpu.memory_space<semaphore_mem>>)
      } else {
      }
      %add3A_147 = arith.constant 1 : i32
      %add3A_148 = arith.addi %mul3A_103, %add3A_147 : i32
      %dma_wait3A_149 = arith.constant 1 : i32
      %dma_wait3A_150 = arith.constant 1 : i32
      %dma_wait3A_151 = arith.constant 0 : i32
      %dma_wait3A_152 = arith.constant 0 : i32
      %dma_wait3A_153 = tpu.memref_slice %arg6[%dma_wait3A_149, %dma_wait3A_151, %dma_wait3A_152] : memref<5x128x128xf32, #tpu.memory_space<vmem>> -> memref<1x128x128xf32, #tpu.memory_space<vmem>>
      %dma_wait3A_154 = tpu.memref_squeeze %dma_wait3A_153 : memref<1x128x128xf32, #tpu.memory_space<vmem>> -> memref<128x128xf32, #tpu.memory_space<vmem>>
      %dma_wait3A_155 = arith.constant 0 : i32
      %dma_wait3A_156 = tpu.memref_slice %arg5[%add3A_148, %dma_wait3A_155] : memref<200x128xi32, #tpu.memory_space<vmem>> -> memref<1x128xi32, #tpu.memory_space<vmem>>
      %dma_wait3A_157 = tpu.memref_squeeze %dma_wait3A_156 : memref<1x128xi32, #tpu.memory_space<vmem>> -> memref<128xi32, #tpu.memory_space<vmem>>
      %dma_wait3A_158 = arith.constant 0 : i32
      %dma_wait3A_159 = arith.constant 0 : i32
      %dma_wait3A_160 = tpu.memref_slice %arg3[%dma_wait3A_158, %dma_wait3A_159] : memref<100000x128xf32, #tpu.memory_space<hbm>> -> memref<100000x128xf32, #tpu.memory_space<hbm>>
      %dma_wait3A_161 = tpu.memref_slice %arg7[%dma_wait3A_150] : memref<5x!tpu.dma_semaphore, #tpu.memory_space<semaphore_mem>> -> memref<1x!tpu.dma_semaphore, #tpu.memory_space<semaphore_mem>>
      %dma_wait3A_162 = tpu.memref_squeeze %dma_wait3A_161 : memref<1x!tpu.dma_semaphore, #tpu.memory_space<semaphore_mem>> -> memref<!tpu.dma_semaphore, #tpu.memory_space<semaphore_mem>>
      tpu.wait_indirect_dma semaphore(%dma_wait3A_162 : memref<!tpu.dma_semaphore, #tpu.memory_space<semaphore_mem>>) src(%dma_wait3A_160 : memref<100000x128xf32, #tpu.memory_space<hbm>>) dst(%dma_wait3A_154 : memref<128x128xf32, #tpu.memory_space<vmem>>)
      %add3A_163 = arith.addi %mul3A_2, %add3A_148 : i32
      %mul3A_164 = arith.constant 128 : i32
      %mul3A_165 = arith.muli %add3A_163, %mul3A_164 : i32
      %dma_start3A_166 = arith.constant 1 : i32
      %dma_start3A_167 = arith.constant 1 : i32
      %dma_start3A_168 = arith.constant 0 : i32
      %dma_start3A_169 = arith.constant 0 : i32
      %dma_start3A_170 = tpu.memref_slice %arg6[%dma_start3A_166, %dma_start3A_168, %dma_start3A_169] : memref<5x128x128xf32, #tpu.memory_space<vmem>> -> memref<1x128x128xf32, #tpu.memory_space<vmem>>
      %dma_start3A_171 = tpu.memref_squeeze %dma_start3A_170 : memref<1x128x128xf32, #tpu.memory_space<vmem>> -> memref<128x128xf32, #tpu.memory_space<vmem>>
      %dma_start3A_172 = arith.constant 0 : i32
      %dma_start3A_173 = tpu.memref_slice %arg4[%mul3A_165, %dma_start3A_172] : memref<819200x128xf32, #tpu.memory_space<hbm>> -> memref<128x128xf32, #tpu.memory_space<hbm>>
      %dma_start3A_174 = tpu.memref_slice %arg8[%dma_start3A_167] : memref<5x!tpu.dma_semaphore, #tpu.memory_space<semaphore_mem>> -> memref<1x!tpu.dma_semaphore, #tpu.memory_space<semaphore_mem>>
      %dma_start3A_175 = tpu.memref_squeeze %dma_start3A_174 : memref<1x!tpu.dma_semaphore, #tpu.memory_space<semaphore_mem>> -> memref<!tpu.dma_semaphore, #tpu.memory_space<semaphore_mem>>
      %dma_start3A_176 = arith.constant 0 : i32
      %dma_start3A_177 = tpu.memref_slice %arg4[%mul3A_165, %dma_start3A_176] : memref<819200x128xf32, #tpu.memory_space<hbm>> -> memref<128x128xf32, #tpu.memory_space<hbm>>
      %dma_start3A_178 = arith.constant 0 : i32
      %dma_start3A_179 = arith.constant 0 : i32
      %dma_start3A_180 = tpu.memref_slice %arg6[%dma_start3A_166, %dma_start3A_178, %dma_start3A_179] : memref<5x128x128xf32, #tpu.memory_space<vmem>> -> memref<1x128x128xf32, #tpu.memory_space<vmem>>
      %dma_start3A_181 = tpu.memref_squeeze %dma_start3A_180 : memref<1x128x128xf32, #tpu.memory_space<vmem>> -> memref<128x128xf32, #tpu.memory_space<vmem>>
      tpu.enqueue_dma source(%dma_start3A_181 : memref<128x128xf32, #tpu.memory_space<vmem>>) target(%dma_start3A_177 : memref<128x128xf32, #tpu.memory_space<hbm>>) target_semaphore(%dma_start3A_175 : memref<!tpu.dma_semaphore, #tpu.memory_space<semaphore_mem>>)
      %ge3A_182 = arith.constant 1 : i32
      %ge3A_183 = arith.cmpi sge, %add3A_148, %ge3A_182 : i32
      %convert_element_type3A_184 = arith.extui %ge3A_183 : i1 to i32
      %cond3A_185 = arith.constant 0 : i32
      %cond3A_186 = arith.cmpi ne, %convert_element_type3A_184, %cond3A_185 : i32
      scf.if %cond3A_186 {
        %sub3A = arith.constant 1 : i32
        %sub3A_339 = arith.subi %add3A_148, %sub3A : i32
        %add3A_340 = arith.addi %mul3A_2, %sub3A_339 : i32
        %mul3A_341 = arith.constant 128 : i32
        %mul3A_342 = arith.muli %add3A_340, %mul3A_341 : i32
        %dma_wait3A_343 = arith.constant 0 : i32
        %dma_wait3A_344 = arith.constant 0 : i32
        %dma_wait3A_345 = arith.constant 0 : i32
        %dma_wait3A_346 = arith.constant 0 : i32
        %dma_wait3A_347 = tpu.memref_slice %arg6[%dma_wait3A_343, %dma_wait3A_345, %dma_wait3A_346] : memref<5x128x128xf32, #tpu.memory_space<vmem>> -> memref<1x128x128xf32, #tpu.memory_space<vmem>>
        %dma_wait3A_348 = tpu.memref_squeeze %dma_wait3A_347 : memref<1x128x128xf32, #tpu.memory_space<vmem>> -> memref<128x128xf32, #tpu.memory_space<vmem>>
        %dma_wait3A_349 = arith.constant 0 : i32
        %dma_wait3A_350 = tpu.memref_slice %arg4[%mul3A_342, %dma_wait3A_349] : memref<819200x128xf32, #tpu.memory_space<hbm>> -> memref<128x128xf32, #tpu.memory_space<hbm>>
        %dma_wait3A_351 = tpu.memref_slice %arg8[%dma_wait3A_344] : memref<5x!tpu.dma_semaphore, #tpu.memory_space<semaphore_mem>> -> memref<1x!tpu.dma_semaphore, #tpu.memory_space<semaphore_mem>>
        %dma_wait3A_352 = tpu.memref_squeeze %dma_wait3A_351 : memref<1x!tpu.dma_semaphore, #tpu.memory_space<semaphore_mem>> -> memref<!tpu.dma_semaphore, #tpu.memory_space<semaphore_mem>>
        %dma_wait3A_353 = arith.constant 0 : i32
        %dma_wait3A_354 = tpu.memref_slice %arg4[%mul3A_342, %dma_wait3A_353] : memref<819200x128xf32, #tpu.memory_space<hbm>> -> memref<128x128xf32, #tpu.memory_space<hbm>>
        %dma_wait3A_355 = arith.constant 0 : i32
        %dma_wait3A_356 = arith.constant 0 : i32
        %dma_wait3A_357 = tpu.memref_slice %arg6[%dma_wait3A_343, %dma_wait3A_355, %dma_wait3A_356] : memref<5x128x128xf32, #tpu.memory_space<vmem>> -> memref<1x128x128xf32, #tpu.memory_space<vmem>>
        %dma_wait3A_358 = tpu.memref_squeeze %dma_wait3A_357 : memref<1x128x128xf32, #tpu.memory_space<vmem>> -> memref<128x128xf32, #tpu.memory_space<vmem>>
        tpu.wait_dma2 semaphore(%dma_wait3A_352 : memref<!tpu.dma_semaphore, #tpu.memory_space<semaphore_mem>>) src(%dma_wait3A_358 : memref<128x128xf32, #tpu.memory_space<vmem>>) dst(%dma_wait3A_354 : memref<128x128xf32, #tpu.memory_space<hbm>>)
      } else {
      }
      %ge3A_187 = arith.constant 1 : i32
      %ge3A_188 = arith.cmpi sge, %add3A_148, %ge3A_187 : i32
      %lt3A_189 = arith.constant 196 : i32
      %lt3A_190 = arith.cmpi slt, %add3A_148, %lt3A_189 : i32
      %and3A_191 = arith.andi %ge3A_188, %lt3A_190 : i1
      %convert_element_type3A_192 = arith.extui %and3A_191 : i1 to i32
      %cond3A_193 = arith.constant 0 : i32
      %cond3A_194 = arith.cmpi ne, %convert_element_type3A_192, %cond3A_193 : i32
      scf.if %cond3A_194 {
        %sub3A = arith.constant 1 : i32
        %sub3A_339 = arith.subi %add3A_148, %sub3A : i32
        %add3A_340 = arith.constant 5 : i32
        %add3A_341 = arith.addi %sub3A_339, %add3A_340 : i32
        %dma_start3A_342 = arith.constant 0 : i32
        %dma_start3A_343 = arith.constant 0 : i32
        %dma_start3A_344 = arith.constant 0 : i32
        %dma_start3A_345 = arith.constant 0 : i32
        %dma_start3A_346 = tpu.memref_slice %arg6[%dma_start3A_342, %dma_start3A_344, %dma_start3A_345] : memref<5x128x128xf32, #tpu.memory_space<vmem>> -> memref<1x128x128xf32, #tpu.memory_space<vmem>>
        %dma_start3A_347 = tpu.memref_squeeze %dma_start3A_346 : memref<1x128x128xf32, #tpu.memory_space<vmem>> -> memref<128x128xf32, #tpu.memory_space<vmem>>
        %dma_start3A_348 = arith.constant 0 : i32
        %dma_start3A_349 = tpu.memref_slice %arg5[%add3A_341, %dma_start3A_348] : memref<200x128xi32, #tpu.memory_space<vmem>> -> memref<1x128xi32, #tpu.memory_space<vmem>>
        %dma_start3A_350 = tpu.memref_squeeze %dma_start3A_349 : memref<1x128xi32, #tpu.memory_space<vmem>> -> memref<128xi32, #tpu.memory_space<vmem>>
        %dma_start3A_351 = arith.constant 0 : i32
        %dma_start3A_352 = arith.constant 0 : i32
        %dma_start3A_353 = tpu.memref_slice %arg3[%dma_start3A_351, %dma_start3A_352] : memref<100000x128xf32, #tpu.memory_space<hbm>> -> memref<100000x128xf32, #tpu.memory_space<hbm>>
        %dma_start3A_354 = tpu.memref_slice %arg7[%dma_start3A_343] : memref<5x!tpu.dma_semaphore, #tpu.memory_space<semaphore_mem>> -> memref<1x!tpu.dma_semaphore, #tpu.memory_space<semaphore_mem>>
        %dma_start3A_355 = tpu.memref_squeeze %dma_start3A_354 : memref<1x!tpu.dma_semaphore, #tpu.memory_space<semaphore_mem>> -> memref<!tpu.dma_semaphore, #tpu.memory_space<semaphore_mem>>
        tpu.enqueue_indirect_dma source(%dma_start3A_353 : memref<100000x128xf32, #tpu.memory_space<hbm>>) target(%dma_start3A_347 : memref<128x128xf32, #tpu.memory_space<vmem>>) offsets(%dma_start3A_350 : memref<128xi32, #tpu.memory_space<vmem>>) semaphore(%dma_start3A_355 : memref<!tpu.dma_semaphore, #tpu.memory_space<semaphore_mem>>)
      } else {
      }
      %add3A_195 = arith.constant 2 : i32
      %add3A_196 = arith.addi %mul3A_103, %add3A_195 : i32
      %dma_wait3A_197 = arith.constant 2 : i32
      %dma_wait3A_198 = arith.constant 2 : i32
      %dma_wait3A_199 = arith.constant 0 : i32
      %dma_wait3A_200 = arith.constant 0 : i32
      %dma_wait3A_201 = tpu.memref_slice %arg6[%dma_wait3A_197, %dma_wait3A_199, %dma_wait3A_200] : memref<5x128x128xf32, #tpu.memory_space<vmem>> -> memref<1x128x128xf32, #tpu.memory_space<vmem>>
      %dma_wait3A_202 = tpu.memref_squeeze %dma_wait3A_201 : memref<1x128x128xf32, #tpu.memory_space<vmem>> -> memref<128x128xf32, #tpu.memory_space<vmem>>
      %dma_wait3A_203 = arith.constant 0 : i32
      %dma_wait3A_204 = tpu.memref_slice %arg5[%add3A_196, %dma_wait3A_203] : memref<200x128xi32, #tpu.memory_space<vmem>> -> memref<1x128xi32, #tpu.memory_space<vmem>>
      %dma_wait3A_205 = tpu.memref_squeeze %dma_wait3A_204 : memref<1x128xi32, #tpu.memory_space<vmem>> -> memref<128xi32, #tpu.memory_space<vmem>>
      %dma_wait3A_206 = arith.constant 0 : i32
      %dma_wait3A_207 = arith.constant 0 : i32
      %dma_wait3A_208 = tpu.memref_slice %arg3[%dma_wait3A_206, %dma_wait3A_207] : memref<100000x128xf32, #tpu.memory_space<hbm>> -> memref<100000x128xf32, #tpu.memory_space<hbm>>
      %dma_wait3A_209 = tpu.memref_slice %arg7[%dma_wait3A_198] : memref<5x!tpu.dma_semaphore, #tpu.memory_space<semaphore_mem>> -> memref<1x!tpu.dma_semaphore, #tpu.memory_space<semaphore_mem>>
      %dma_wait3A_210 = tpu.memref_squeeze %dma_wait3A_209 : memref<1x!tpu.dma_semaphore, #tpu.memory_space<semaphore_mem>> -> memref<!tpu.dma_semaphore, #tpu.memory_space<semaphore_mem>>
      tpu.wait_indirect_dma semaphore(%dma_wait3A_210 : memref<!tpu.dma_semaphore, #tpu.memory_space<semaphore_mem>>) src(%dma_wait3A_208 : memref<100000x128xf32, #tpu.memory_space<hbm>>) dst(%dma_wait3A_202 : memref<128x128xf32, #tpu.memory_space<vmem>>)
      %add3A_211 = arith.addi %mul3A_2, %add3A_196 : i32
      %mul3A_212 = arith.constant 128 : i32
      %mul3A_213 = arith.muli %add3A_211, %mul3A_212 : i32
      %dma_start3A_214 = arith.constant 2 : i32
      %dma_start3A_215 = arith.constant 2 : i32
      %dma_start3A_216 = arith.constant 0 : i32
      %dma_start3A_217 = arith.constant 0 : i32
      %dma_start3A_218 = tpu.memref_slice %arg6[%dma_start3A_214, %dma_start3A_216, %dma_start3A_217] : memref<5x128x128xf32, #tpu.memory_space<vmem>> -> memref<1x128x128xf32, #tpu.memory_space<vmem>>
      %dma_start3A_219 = tpu.memref_squeeze %dma_start3A_218 : memref<1x128x128xf32, #tpu.memory_space<vmem>> -> memref<128x128xf32, #tpu.memory_space<vmem>>
      %dma_start3A_220 = arith.constant 0 : i32
      %dma_start3A_221 = tpu.memref_slice %arg4[%mul3A_213, %dma_start3A_220] : memref<819200x128xf32, #tpu.memory_space<hbm>> -> memref<128x128xf32, #tpu.memory_space<hbm>>
      %dma_start3A_222 = tpu.memref_slice %arg8[%dma_start3A_215] : memref<5x!tpu.dma_semaphore, #tpu.memory_space<semaphore_mem>> -> memref<1x!tpu.dma_semaphore, #tpu.memory_space<semaphore_mem>>
      %dma_start3A_223 = tpu.memref_squeeze %dma_start3A_222 : memref<1x!tpu.dma_semaphore, #tpu.memory_space<semaphore_mem>> -> memref<!tpu.dma_semaphore, #tpu.memory_space<semaphore_mem>>
      %dma_start3A_224 = arith.constant 0 : i32
      %dma_start3A_225 = tpu.memref_slice %arg4[%mul3A_213, %dma_start3A_224] : memref<819200x128xf32, #tpu.memory_space<hbm>> -> memref<128x128xf32, #tpu.memory_space<hbm>>
      %dma_start3A_226 = arith.constant 0 : i32
      %dma_start3A_227 = arith.constant 0 : i32
      %dma_start3A_228 = tpu.memref_slice %arg6[%dma_start3A_214, %dma_start3A_226, %dma_start3A_227] : memref<5x128x128xf32, #tpu.memory_space<vmem>> -> memref<1x128x128xf32, #tpu.memory_space<vmem>>
      %dma_start3A_229 = tpu.memref_squeeze %dma_start3A_228 : memref<1x128x128xf32, #tpu.memory_space<vmem>> -> memref<128x128xf32, #tpu.memory_space<vmem>>
      tpu.enqueue_dma source(%dma_start3A_229 : memref<128x128xf32, #tpu.memory_space<vmem>>) target(%dma_start3A_225 : memref<128x128xf32, #tpu.memory_space<hbm>>) target_semaphore(%dma_start3A_223 : memref<!tpu.dma_semaphore, #tpu.memory_space<semaphore_mem>>)
      %ge3A_230 = arith.constant 1 : i32
      %ge3A_231 = arith.cmpi sge, %add3A_196, %ge3A_230 : i32
      %convert_element_type3A_232 = arith.extui %ge3A_231 : i1 to i32
      %cond3A_233 = arith.constant 0 : i32
      %cond3A_234 = arith.cmpi ne, %convert_element_type3A_232, %cond3A_233 : i32
      scf.if %cond3A_234 {
        %sub3A = arith.constant 1 : i32
        %sub3A_339 = arith.subi %add3A_196, %sub3A : i32
        %add3A_340 = arith.addi %mul3A_2, %sub3A_339 : i32
        %mul3A_341 = arith.constant 128 : i32
        %mul3A_342 = arith.muli %add3A_340, %mul3A_341 : i32
        %dma_wait3A_343 = arith.constant 1 : i32
        %dma_wait3A_344 = arith.constant 1 : i32
        %dma_wait3A_345 = arith.constant 0 : i32
        %dma_wait3A_346 = arith.constant 0 : i32
        %dma_wait3A_347 = tpu.memref_slice %arg6[%dma_wait3A_343, %dma_wait3A_345, %dma_wait3A_346] : memref<5x128x128xf32, #tpu.memory_space<vmem>> -> memref<1x128x128xf32, #tpu.memory_space<vmem>>
        %dma_wait3A_348 = tpu.memref_squeeze %dma_wait3A_347 : memref<1x128x128xf32, #tpu.memory_space<vmem>> -> memref<128x128xf32, #tpu.memory_space<vmem>>
        %dma_wait3A_349 = arith.constant 0 : i32
        %dma_wait3A_350 = tpu.memref_slice %arg4[%mul3A_342, %dma_wait3A_349] : memref<819200x128xf32, #tpu.memory_space<hbm>> -> memref<128x128xf32, #tpu.memory_space<hbm>>
        %dma_wait3A_351 = tpu.memref_slice %arg8[%dma_wait3A_344] : memref<5x!tpu.dma_semaphore, #tpu.memory_space<semaphore_mem>> -> memref<1x!tpu.dma_semaphore, #tpu.memory_space<semaphore_mem>>
        %dma_wait3A_352 = tpu.memref_squeeze %dma_wait3A_351 : memref<1x!tpu.dma_semaphore, #tpu.memory_space<semaphore_mem>> -> memref<!tpu.dma_semaphore, #tpu.memory_space<semaphore_mem>>
        %dma_wait3A_353 = arith.constant 0 : i32
        %dma_wait3A_354 = tpu.memref_slice %arg4[%mul3A_342, %dma_wait3A_353] : memref<819200x128xf32, #tpu.memory_space<hbm>> -> memref<128x128xf32, #tpu.memory_space<hbm>>
        %dma_wait3A_355 = arith.constant 0 : i32
        %dma_wait3A_356 = arith.constant 0 : i32
        %dma_wait3A_357 = tpu.memref_slice %arg6[%dma_wait3A_343, %dma_wait3A_355, %dma_wait3A_356] : memref<5x128x128xf32, #tpu.memory_space<vmem>> -> memref<1x128x128xf32, #tpu.memory_space<vmem>>
        %dma_wait3A_358 = tpu.memref_squeeze %dma_wait3A_357 : memref<1x128x128xf32, #tpu.memory_space<vmem>> -> memref<128x128xf32, #tpu.memory_space<vmem>>
        tpu.wait_dma2 semaphore(%dma_wait3A_352 : memref<!tpu.dma_semaphore, #tpu.memory_space<semaphore_mem>>) src(%dma_wait3A_358 : memref<128x128xf32, #tpu.memory_space<vmem>>) dst(%dma_wait3A_354 : memref<128x128xf32, #tpu.memory_space<hbm>>)
      } else {
      }
      %ge3A_235 = arith.constant 1 : i32
      %ge3A_236 = arith.cmpi sge, %add3A_196, %ge3A_235 : i32
      %lt3A_237 = arith.constant 196 : i32
      %lt3A_238 = arith.cmpi slt, %add3A_196, %lt3A_237 : i32
      %and3A_239 = arith.andi %ge3A_236, %lt3A_238 : i1
      %convert_element_type3A_240 = arith.extui %and3A_239 : i1 to i32
      %cond3A_241 = arith.constant 0 : i32
      %cond3A_242 = arith.cmpi ne, %convert_element_type3A_240, %cond3A_241 : i32
      scf.if %cond3A_242 {
        %sub3A = arith.constant 1 : i32
        %sub3A_339 = arith.subi %add3A_196, %sub3A : i32
        %add3A_340 = arith.constant 5 : i32
        %add3A_341 = arith.addi %sub3A_339, %add3A_340 : i32
        %dma_start3A_342 = arith.constant 1 : i32
        %dma_start3A_343 = arith.constant 1 : i32
        %dma_start3A_344 = arith.constant 0 : i32
        %dma_start3A_345 = arith.constant 0 : i32
        %dma_start3A_346 = tpu.memref_slice %arg6[%dma_start3A_342, %dma_start3A_344, %dma_start3A_345] : memref<5x128x128xf32, #tpu.memory_space<vmem>> -> memref<1x128x128xf32, #tpu.memory_space<vmem>>
        %dma_start3A_347 = tpu.memref_squeeze %dma_start3A_346 : memref<1x128x128xf32, #tpu.memory_space<vmem>> -> memref<128x128xf32, #tpu.memory_space<vmem>>
        %dma_start3A_348 = arith.constant 0 : i32
        %dma_start3A_349 = tpu.memref_slice %arg5[%add3A_341, %dma_start3A_348] : memref<200x128xi32, #tpu.memory_space<vmem>> -> memref<1x128xi32, #tpu.memory_space<vmem>>
        %dma_start3A_350 = tpu.memref_squeeze %dma_start3A_349 : memref<1x128xi32, #tpu.memory_space<vmem>> -> memref<128xi32, #tpu.memory_space<vmem>>
        %dma_start3A_351 = arith.constant 0 : i32
        %dma_start3A_352 = arith.constant 0 : i32
        %dma_start3A_353 = tpu.memref_slice %arg3[%dma_start3A_351, %dma_start3A_352] : memref<100000x128xf32, #tpu.memory_space<hbm>> -> memref<100000x128xf32, #tpu.memory_space<hbm>>
        %dma_start3A_354 = tpu.memref_slice %arg7[%dma_start3A_343] : memref<5x!tpu.dma_semaphore, #tpu.memory_space<semaphore_mem>> -> memref<1x!tpu.dma_semaphore, #tpu.memory_space<semaphore_mem>>
        %dma_start3A_355 = tpu.memref_squeeze %dma_start3A_354 : memref<1x!tpu.dma_semaphore, #tpu.memory_space<semaphore_mem>> -> memref<!tpu.dma_semaphore, #tpu.memory_space<semaphore_mem>>
        tpu.enqueue_indirect_dma source(%dma_start3A_353 : memref<100000x128xf32, #tpu.memory_space<hbm>>) target(%dma_start3A_347 : memref<128x128xf32, #tpu.memory_space<vmem>>) offsets(%dma_start3A_350 : memref<128xi32, #tpu.memory_space<vmem>>) semaphore(%dma_start3A_355 : memref<!tpu.dma_semaphore, #tpu.memory_space<semaphore_mem>>)
      } else {
      }
      %add3A_243 = arith.constant 3 : i32
      %add3A_244 = arith.addi %mul3A_103, %add3A_243 : i32
      %dma_wait3A_245 = arith.constant 3 : i32
      %dma_wait3A_246 = arith.constant 3 : i32
      %dma_wait3A_247 = arith.constant 0 : i32
      %dma_wait3A_248 = arith.constant 0 : i32
      %dma_wait3A_249 = tpu.memref_slice %arg6[%dma_wait3A_245, %dma_wait3A_247, %dma_wait3A_248] : memref<5x128x128xf32, #tpu.memory_space<vmem>> -> memref<1x128x128xf32, #tpu.memory_space<vmem>>
      %dma_wait3A_250 = tpu.memref_squeeze %dma_wait3A_249 : memref<1x128x128xf32, #tpu.memory_space<vmem>> -> memref<128x128xf32, #tpu.memory_space<vmem>>
      %dma_wait3A_251 = arith.constant 0 : i32
      %dma_wait3A_252 = tpu.memref_slice %arg5[%add3A_244, %dma_wait3A_251] : memref<200x128xi32, #tpu.memory_space<vmem>> -> memref<1x128xi32, #tpu.memory_space<vmem>>
      %dma_wait3A_253 = tpu.memref_squeeze %dma_wait3A_252 : memref<1x128xi32, #tpu.memory_space<vmem>> -> memref<128xi32, #tpu.memory_space<vmem>>
      %dma_wait3A_254 = arith.constant 0 : i32
      %dma_wait3A_255 = arith.constant 0 : i32
      %dma_wait3A_256 = tpu.memref_slice %arg3[%dma_wait3A_254, %dma_wait3A_255] : memref<100000x128xf32, #tpu.memory_space<hbm>> -> memref<100000x128xf32, #tpu.memory_space<hbm>>
      %dma_wait3A_257 = tpu.memref_slice %arg7[%dma_wait3A_246] : memref<5x!tpu.dma_semaphore, #tpu.memory_space<semaphore_mem>> -> memref<1x!tpu.dma_semaphore, #tpu.memory_space<semaphore_mem>>
      %dma_wait3A_258 = tpu.memref_squeeze %dma_wait3A_257 : memref<1x!tpu.dma_semaphore, #tpu.memory_space<semaphore_mem>> -> memref<!tpu.dma_semaphore, #tpu.memory_space<semaphore_mem>>
      tpu.wait_indirect_dma semaphore(%dma_wait3A_258 : memref<!tpu.dma_semaphore, #tpu.memory_space<semaphore_mem>>) src(%dma_wait3A_256 : memref<100000x128xf32, #tpu.memory_space<hbm>>) dst(%dma_wait3A_250 : memref<128x128xf32, #tpu.memory_space<vmem>>)
      %add3A_259 = arith.addi %mul3A_2, %add3A_244 : i32
      %mul3A_260 = arith.constant 128 : i32
      %mul3A_261 = arith.muli %add3A_259, %mul3A_260 : i32
      %dma_start3A_262 = arith.constant 3 : i32
      %dma_start3A_263 = arith.constant 3 : i32
      %dma_start3A_264 = arith.constant 0 : i32
      %dma_start3A_265 = arith.constant 0 : i32
      %dma_start3A_266 = tpu.memref_slice %arg6[%dma_start3A_262, %dma_start3A_264, %dma_start3A_265] : memref<5x128x128xf32, #tpu.memory_space<vmem>> -> memref<1x128x128xf32, #tpu.memory_space<vmem>>
      %dma_start3A_267 = tpu.memref_squeeze %dma_start3A_266 : memref<1x128x128xf32, #tpu.memory_space<vmem>> -> memref<128x128xf32, #tpu.memory_space<vmem>>
      %dma_start3A_268 = arith.constant 0 : i32
      %dma_start3A_269 = tpu.memref_slice %arg4[%mul3A_261, %dma_start3A_268] : memref<819200x128xf32, #tpu.memory_space<hbm>> -> memref<128x128xf32, #tpu.memory_space<hbm>>
      %dma_start3A_270 = tpu.memref_slice %arg8[%dma_start3A_263] : memref<5x!tpu.dma_semaphore, #tpu.memory_space<semaphore_mem>> -> memref<1x!tpu.dma_semaphore, #tpu.memory_space<semaphore_mem>>
      %dma_start3A_271 = tpu.memref_squeeze %dma_start3A_270 : memref<1x!tpu.dma_semaphore, #tpu.memory_space<semaphore_mem>> -> memref<!tpu.dma_semaphore, #tpu.memory_space<semaphore_mem>>
      %dma_start3A_272 = arith.constant 0 : i32
      %dma_start3A_273 = tpu.memref_slice %arg4[%mul3A_261, %dma_start3A_272] : memref<819200x128xf32, #tpu.memory_space<hbm>> -> memref<128x128xf32, #tpu.memory_space<hbm>>
      %dma_start3A_274 = arith.constant 0 : i32
      %dma_start3A_275 = arith.constant 0 : i32
      %dma_start3A_276 = tpu.memref_slice %arg6[%dma_start3A_262, %dma_start3A_274, %dma_start3A_275] : memref<5x128x128xf32, #tpu.memory_space<vmem>> -> memref<1x128x128xf32, #tpu.memory_space<vmem>>
      %dma_start3A_277 = tpu.memref_squeeze %dma_start3A_276 : memref<1x128x128xf32, #tpu.memory_space<vmem>> -> memref<128x128xf32, #tpu.memory_space<vmem>>
      tpu.enqueue_dma source(%dma_start3A_277 : memref<128x128xf32, #tpu.memory_space<vmem>>) target(%dma_start3A_273 : memref<128x128xf32, #tpu.memory_space<hbm>>) target_semaphore(%dma_start3A_271 : memref<!tpu.dma_semaphore, #tpu.memory_space<semaphore_mem>>)
      %ge3A_278 = arith.constant 1 : i32
      %ge3A_279 = arith.cmpi sge, %add3A_244, %ge3A_278 : i32
      %convert_element_type3A_280 = arith.extui %ge3A_279 : i1 to i32
      %cond3A_281 = arith.constant 0 : i32
      %cond3A_282 = arith.cmpi ne, %convert_element_type3A_280, %cond3A_281 : i32
      scf.if %cond3A_282 {
        %sub3A = arith.constant 1 : i32
        %sub3A_339 = arith.subi %add3A_244, %sub3A : i32
        %add3A_340 = arith.addi %mul3A_2, %sub3A_339 : i32
        %mul3A_341 = arith.constant 128 : i32
        %mul3A_342 = arith.muli %add3A_340, %mul3A_341 : i32
        %dma_wait3A_343 = arith.constant 2 : i32
        %dma_wait3A_344 = arith.constant 2 : i32
        %dma_wait3A_345 = arith.constant 0 : i32
        %dma_wait3A_346 = arith.constant 0 : i32
        %dma_wait3A_347 = tpu.memref_slice %arg6[%dma_wait3A_343, %dma_wait3A_345, %dma_wait3A_346] : memref<5x128x128xf32, #tpu.memory_space<vmem>> -> memref<1x128x128xf32, #tpu.memory_space<vmem>>
        %dma_wait3A_348 = tpu.memref_squeeze %dma_wait3A_347 : memref<1x128x128xf32, #tpu.memory_space<vmem>> -> memref<128x128xf32, #tpu.memory_space<vmem>>
        %dma_wait3A_349 = arith.constant 0 : i32
        %dma_wait3A_350 = tpu.memref_slice %arg4[%mul3A_342, %dma_wait3A_349] : memref<819200x128xf32, #tpu.memory_space<hbm>> -> memref<128x128xf32, #tpu.memory_space<hbm>>
        %dma_wait3A_351 = tpu.memref_slice %arg8[%dma_wait3A_344] : memref<5x!tpu.dma_semaphore, #tpu.memory_space<semaphore_mem>> -> memref<1x!tpu.dma_semaphore, #tpu.memory_space<semaphore_mem>>
        %dma_wait3A_352 = tpu.memref_squeeze %dma_wait3A_351 : memref<1x!tpu.dma_semaphore, #tpu.memory_space<semaphore_mem>> -> memref<!tpu.dma_semaphore, #tpu.memory_space<semaphore_mem>>
        %dma_wait3A_353 = arith.constant 0 : i32
        %dma_wait3A_354 = tpu.memref_slice %arg4[%mul3A_342, %dma_wait3A_353] : memref<819200x128xf32, #tpu.memory_space<hbm>> -> memref<128x128xf32, #tpu.memory_space<hbm>>
        %dma_wait3A_355 = arith.constant 0 : i32
        %dma_wait3A_356 = arith.constant 0 : i32
        %dma_wait3A_357 = tpu.memref_slice %arg6[%dma_wait3A_343, %dma_wait3A_355, %dma_wait3A_356] : memref<5x128x128xf32, #tpu.memory_space<vmem>> -> memref<1x128x128xf32, #tpu.memory_space<vmem>>
        %dma_wait3A_358 = tpu.memref_squeeze %dma_wait3A_357 : memref<1x128x128xf32, #tpu.memory_space<vmem>> -> memref<128x128xf32, #tpu.memory_space<vmem>>
        tpu.wait_dma2 semaphore(%dma_wait3A_352 : memref<!tpu.dma_semaphore, #tpu.memory_space<semaphore_mem>>) src(%dma_wait3A_358 : memref<128x128xf32, #tpu.memory_space<vmem>>) dst(%dma_wait3A_354 : memref<128x128xf32, #tpu.memory_space<hbm>>)
      } else {
      }
      %ge3A_283 = arith.constant 1 : i32
      %ge3A_284 = arith.cmpi sge, %add3A_244, %ge3A_283 : i32
      %lt3A_285 = arith.constant 196 : i32
      %lt3A_286 = arith.cmpi slt, %add3A_244, %lt3A_285 : i32
      %and3A_287 = arith.andi %ge3A_284, %lt3A_286 : i1
      %convert_element_type3A_288 = arith.extui %and3A_287 : i1 to i32
      %cond3A_289 = arith.constant 0 : i32
      %cond3A_290 = arith.cmpi ne, %convert_element_type3A_288, %cond3A_289 : i32
      scf.if %cond3A_290 {
        %sub3A = arith.constant 1 : i32
        %sub3A_339 = arith.subi %add3A_244, %sub3A : i32
        %add3A_340 = arith.constant 5 : i32
        %add3A_341 = arith.addi %sub3A_339, %add3A_340 : i32
        %dma_start3A_342 = arith.constant 2 : i32
        %dma_start3A_343 = arith.constant 2 : i32
        %dma_start3A_344 = arith.constant 0 : i32
        %dma_start3A_345 = arith.constant 0 : i32
        %dma_start3A_346 = tpu.memref_slice %arg6[%dma_start3A_342, %dma_start3A_344, %dma_start3A_345] : memref<5x128x128xf32, #tpu.memory_space<vmem>> -> memref<1x128x128xf32, #tpu.memory_space<vmem>>
        %dma_start3A_347 = tpu.memref_squeeze %dma_start3A_346 : memref<1x128x128xf32, #tpu.memory_space<vmem>> -> memref<128x128xf32, #tpu.memory_space<vmem>>
        %dma_start3A_348 = arith.constant 0 : i32
        %dma_start3A_349 = tpu.memref_slice %arg5[%add3A_341, %dma_start3A_348] : memref<200x128xi32, #tpu.memory_space<vmem>> -> memref<1x128xi32, #tpu.memory_space<vmem>>
        %dma_start3A_350 = tpu.memref_squeeze %dma_start3A_349 : memref<1x128xi32, #tpu.memory_space<vmem>> -> memref<128xi32, #tpu.memory_space<vmem>>
        %dma_start3A_351 = arith.constant 0 : i32
        %dma_start3A_352 = arith.constant 0 : i32
        %dma_start3A_353 = tpu.memref_slice %arg3[%dma_start3A_351, %dma_start3A_352] : memref<100000x128xf32, #tpu.memory_space<hbm>> -> memref<100000x128xf32, #tpu.memory_space<hbm>>
        %dma_start3A_354 = tpu.memref_slice %arg7[%dma_start3A_343] : memref<5x!tpu.dma_semaphore, #tpu.memory_space<semaphore_mem>> -> memref<1x!tpu.dma_semaphore, #tpu.memory_space<semaphore_mem>>
        %dma_start3A_355 = tpu.memref_squeeze %dma_start3A_354 : memref<1x!tpu.dma_semaphore, #tpu.memory_space<semaphore_mem>> -> memref<!tpu.dma_semaphore, #tpu.memory_space<semaphore_mem>>
        tpu.enqueue_indirect_dma source(%dma_start3A_353 : memref<100000x128xf32, #tpu.memory_space<hbm>>) target(%dma_start3A_347 : memref<128x128xf32, #tpu.memory_space<vmem>>) offsets(%dma_start3A_350 : memref<128xi32, #tpu.memory_space<vmem>>) semaphore(%dma_start3A_355 : memref<!tpu.dma_semaphore, #tpu.memory_space<semaphore_mem>>)
      } else {
      }
      %add3A_291 = arith.constant 4 : i32
      %add3A_292 = arith.addi %mul3A_103, %add3A_291 : i32
      %dma_wait3A_293 = arith.constant 4 : i32
      %dma_wait3A_294 = arith.constant 4 : i32
      %dma_wait3A_295 = arith.constant 0 : i32
      %dma_wait3A_296 = arith.constant 0 : i32
      %dma_wait3A_297 = tpu.memref_slice %arg6[%dma_wait3A_293, %dma_wait3A_295, %dma_wait3A_296] : memref<5x128x128xf32, #tpu.memory_space<vmem>> -> memref<1x128x128xf32, #tpu.memory_space<vmem>>
      %dma_wait3A_298 = tpu.memref_squeeze %dma_wait3A_297 : memref<1x128x128xf32, #tpu.memory_space<vmem>> -> memref<128x128xf32, #tpu.memory_space<vmem>>
      %dma_wait3A_299 = arith.constant 0 : i32
      %dma_wait3A_300 = tpu.memref_slice %arg5[%add3A_292, %dma_wait3A_299] : memref<200x128xi32, #tpu.memory_space<vmem>> -> memref<1x128xi32, #tpu.memory_space<vmem>>
      %dma_wait3A_301 = tpu.memref_squeeze %dma_wait3A_300 : memref<1x128xi32, #tpu.memory_space<vmem>> -> memref<128xi32, #tpu.memory_space<vmem>>
      %dma_wait3A_302 = arith.constant 0 : i32
      %dma_wait3A_303 = arith.constant 0 : i32
      %dma_wait3A_304 = tpu.memref_slice %arg3[%dma_wait3A_302, %dma_wait3A_303] : memref<100000x128xf32, #tpu.memory_space<hbm>> -> memref<100000x128xf32, #tpu.memory_space<hbm>>
      %dma_wait3A_305 = tpu.memref_slice %arg7[%dma_wait3A_294] : memref<5x!tpu.dma_semaphore, #tpu.memory_space<semaphore_mem>> -> memref<1x!tpu.dma_semaphore, #tpu.memory_space<semaphore_mem>>
      %dma_wait3A_306 = tpu.memref_squeeze %dma_wait3A_305 : memref<1x!tpu.dma_semaphore, #tpu.memory_space<semaphore_mem>> -> memref<!tpu.dma_semaphore, #tpu.memory_space<semaphore_mem>>
      tpu.wait_indirect_dma semaphore(%dma_wait3A_306 : memref<!tpu.dma_semaphore, #tpu.memory_space<semaphore_mem>>) src(%dma_wait3A_304 : memref<100000x128xf32, #tpu.memory_space<hbm>>) dst(%dma_wait3A_298 : memref<128x128xf32, #tpu.memory_space<vmem>>)
      %add3A_307 = arith.addi %mul3A_2, %add3A_292 : i32
      %mul3A_308 = arith.constant 128 : i32
      %mul3A_309 = arith.muli %add3A_307, %mul3A_308 : i32
      %dma_start3A_310 = arith.constant 4 : i32
      %dma_start3A_311 = arith.constant 4 : i32
      %dma_start3A_312 = arith.constant 0 : i32
      %dma_start3A_313 = arith.constant 0 : i32
      %dma_start3A_314 = tpu.memref_slice %arg6[%dma_start3A_310, %dma_start3A_312, %dma_start3A_313] : memref<5x128x128xf32, #tpu.memory_space<vmem>> -> memref<1x128x128xf32, #tpu.memory_space<vmem>>
      %dma_start3A_315 = tpu.memref_squeeze %dma_start3A_314 : memref<1x128x128xf32, #tpu.memory_space<vmem>> -> memref<128x128xf32, #tpu.memory_space<vmem>>
      %dma_start3A_316 = arith.constant 0 : i32
      %dma_start3A_317 = tpu.memref_slice %arg4[%mul3A_309, %dma_start3A_316] : memref<819200x128xf32, #tpu.memory_space<hbm>> -> memref<128x128xf32, #tpu.memory_space<hbm>>
      %dma_start3A_318 = tpu.memref_slice %arg8[%dma_start3A_311] : memref<5x!tpu.dma_semaphore, #tpu.memory_space<semaphore_mem>> -> memref<1x!tpu.dma_semaphore, #tpu.memory_space<semaphore_mem>>
      %dma_start3A_319 = tpu.memref_squeeze %dma_start3A_318 : memref<1x!tpu.dma_semaphore, #tpu.memory_space<semaphore_mem>> -> memref<!tpu.dma_semaphore, #tpu.memory_space<semaphore_mem>>
      %dma_start3A_320 = arith.constant 0 : i32
      %dma_start3A_321 = tpu.memref_slice %arg4[%mul3A_309, %dma_start3A_320] : memref<819200x128xf32, #tpu.memory_space<hbm>> -> memref<128x128xf32, #tpu.memory_space<hbm>>
      %dma_start3A_322 = arith.constant 0 : i32
      %dma_start3A_323 = arith.constant 0 : i32
      %dma_start3A_324 = tpu.memref_slice %arg6[%dma_start3A_310, %dma_start3A_322, %dma_start3A_323] : memref<5x128x128xf32, #tpu.memory_space<vmem>> -> memref<1x128x128xf32, #tpu.memory_space<vmem>>
      %dma_start3A_325 = tpu.memref_squeeze %dma_start3A_324 : memref<1x128x128xf32, #tpu.memory_space<vmem>> -> memref<128x128xf32, #tpu.memory_space<vmem>>
      tpu.enqueue_dma source(%dma_start3A_325 : memref<128x128xf32, #tpu.memory_space<vmem>>) target(%dma_start3A_321 : memref<128x128xf32, #tpu.memory_space<hbm>>) target_semaphore(%dma_start3A_319 : memref<!tpu.dma_semaphore, #tpu.memory_space<semaphore_mem>>)
      %ge3A_326 = arith.constant 1 : i32
      %ge3A_327 = arith.cmpi sge, %add3A_292, %ge3A_326 : i32
      %convert_element_type3A_328 = arith.extui %ge3A_327 : i1 to i32
      %cond3A_329 = arith.constant 0 : i32
      %cond3A_330 = arith.cmpi ne, %convert_element_type3A_328, %cond3A_329 : i32
      scf.if %cond3A_330 {
        %sub3A = arith.constant 1 : i32
        %sub3A_339 = arith.subi %add3A_292, %sub3A : i32
        %add3A_340 = arith.addi %mul3A_2, %sub3A_339 : i32
        %mul3A_341 = arith.constant 128 : i32
        %mul3A_342 = arith.muli %add3A_340, %mul3A_341 : i32
        %dma_wait3A_343 = arith.constant 3 : i32
        %dma_wait3A_344 = arith.constant 3 : i32
        %dma_wait3A_345 = arith.constant 0 : i32
        %dma_wait3A_346 = arith.constant 0 : i32
        %dma_wait3A_347 = tpu.memref_slice %arg6[%dma_wait3A_343, %dma_wait3A_345, %dma_wait3A_346] : memref<5x128x128xf32, #tpu.memory_space<vmem>> -> memref<1x128x128xf32, #tpu.memory_space<vmem>>
        %dma_wait3A_348 = tpu.memref_squeeze %dma_wait3A_347 : memref<1x128x128xf32, #tpu.memory_space<vmem>> -> memref<128x128xf32, #tpu.memory_space<vmem>>
        %dma_wait3A_349 = arith.constant 0 : i32
        %dma_wait3A_350 = tpu.memref_slice %arg4[%mul3A_342, %dma_wait3A_349] : memref<819200x128xf32, #tpu.memory_space<hbm>> -> memref<128x128xf32, #tpu.memory_space<hbm>>
        %dma_wait3A_351 = tpu.memref_slice %arg8[%dma_wait3A_344] : memref<5x!tpu.dma_semaphore, #tpu.memory_space<semaphore_mem>> -> memref<1x!tpu.dma_semaphore, #tpu.memory_space<semaphore_mem>>
        %dma_wait3A_352 = tpu.memref_squeeze %dma_wait3A_351 : memref<1x!tpu.dma_semaphore, #tpu.memory_space<semaphore_mem>> -> memref<!tpu.dma_semaphore, #tpu.memory_space<semaphore_mem>>
        %dma_wait3A_353 = arith.constant 0 : i32
        %dma_wait3A_354 = tpu.memref_slice %arg4[%mul3A_342, %dma_wait3A_353] : memref<819200x128xf32, #tpu.memory_space<hbm>> -> memref<128x128xf32, #tpu.memory_space<hbm>>
        %dma_wait3A_355 = arith.constant 0 : i32
        %dma_wait3A_356 = arith.constant 0 : i32
        %dma_wait3A_357 = tpu.memref_slice %arg6[%dma_wait3A_343, %dma_wait3A_355, %dma_wait3A_356] : memref<5x128x128xf32, #tpu.memory_space<vmem>> -> memref<1x128x128xf32, #tpu.memory_space<vmem>>
        %dma_wait3A_358 = tpu.memref_squeeze %dma_wait3A_357 : memref<1x128x128xf32, #tpu.memory_space<vmem>> -> memref<128x128xf32, #tpu.memory_space<vmem>>
        tpu.wait_dma2 semaphore(%dma_wait3A_352 : memref<!tpu.dma_semaphore, #tpu.memory_space<semaphore_mem>>) src(%dma_wait3A_358 : memref<128x128xf32, #tpu.memory_space<vmem>>) dst(%dma_wait3A_354 : memref<128x128xf32, #tpu.memory_space<hbm>>)
      } else {
      }
      %ge3A_331 = arith.constant 1 : i32
      %ge3A_332 = arith.cmpi sge, %add3A_292, %ge3A_331 : i32
      %lt3A_333 = arith.constant 196 : i32
      %lt3A_334 = arith.cmpi slt, %add3A_292, %lt3A_333 : i32
      %and3A_335 = arith.andi %ge3A_332, %lt3A_334 : i1
      %convert_element_type3A_336 = arith.extui %and3A_335 : i1 to i32
      %cond3A_337 = arith.constant 0 : i32
      %cond3A_338 = arith.cmpi ne, %convert_element_type3A_336, %cond3A_337 : i32
      scf.if %cond3A_338 {
        %sub3A = arith.constant 1 : i32
        %sub3A_339 = arith.subi %add3A_292, %sub3A : i32
        %add3A_340 = arith.constant 5 : i32
        %add3A_341 = arith.addi %sub3A_339, %add3A_340 : i32
        %dma_start3A_342 = arith.constant 3 : i32
        %dma_start3A_343 = arith.constant 3 : i32
        %dma_start3A_344 = arith.constant 0 : i32
        %dma_start3A_345 = arith.constant 0 : i32
        %dma_start3A_346 = tpu.memref_slice %arg6[%dma_start3A_342, %dma_start3A_344, %dma_start3A_345] : memref<5x128x128xf32, #tpu.memory_space<vmem>> -> memref<1x128x128xf32, #tpu.memory_space<vmem>>
        %dma_start3A_347 = tpu.memref_squeeze %dma_start3A_346 : memref<1x128x128xf32, #tpu.memory_space<vmem>> -> memref<128x128xf32, #tpu.memory_space<vmem>>
        %dma_start3A_348 = arith.constant 0 : i32
        %dma_start3A_349 = tpu.memref_slice %arg5[%add3A_341, %dma_start3A_348] : memref<200x128xi32, #tpu.memory_space<vmem>> -> memref<1x128xi32, #tpu.memory_space<vmem>>
        %dma_start3A_350 = tpu.memref_squeeze %dma_start3A_349 : memref<1x128xi32, #tpu.memory_space<vmem>> -> memref<128xi32, #tpu.memory_space<vmem>>
        %dma_start3A_351 = arith.constant 0 : i32
        %dma_start3A_352 = arith.constant 0 : i32
        %dma_start3A_353 = tpu.memref_slice %arg3[%dma_start3A_351, %dma_start3A_352] : memref<100000x128xf32, #tpu.memory_space<hbm>> -> memref<100000x128xf32, #tpu.memory_space<hbm>>
        %dma_start3A_354 = tpu.memref_slice %arg7[%dma_start3A_343] : memref<5x!tpu.dma_semaphore, #tpu.memory_space<semaphore_mem>> -> memref<1x!tpu.dma_semaphore, #tpu.memory_space<semaphore_mem>>
        %dma_start3A_355 = tpu.memref_squeeze %dma_start3A_354 : memref<1x!tpu.dma_semaphore, #tpu.memory_space<semaphore_mem>> -> memref<!tpu.dma_semaphore, #tpu.memory_space<semaphore_mem>>
        tpu.enqueue_indirect_dma source(%dma_start3A_353 : memref<100000x128xf32, #tpu.memory_space<hbm>>) target(%dma_start3A_347 : memref<128x128xf32, #tpu.memory_space<vmem>>) offsets(%dma_start3A_350 : memref<128xi32, #tpu.memory_space<vmem>>) semaphore(%dma_start3A_355 : memref<!tpu.dma_semaphore, #tpu.memory_space<semaphore_mem>>)
      } else {
      }
    }
    %scan3A_81 = arith.constant 40 : i32
    %add3A_82 = arith.constant 199 : i32
    %add3A_83 = arith.addi %mul3A_2, %add3A_82 : i32
    %mul3A_84 = arith.constant 128 : i32
    %mul3A_85 = arith.muli %add3A_83, %mul3A_84 : i32
    %dma_wait3A = arith.constant 4 : i32
    %dma_wait3A_86 = arith.constant 4 : i32
    %dma_wait3A_87 = arith.constant 0 : i32
    %dma_wait3A_88 = arith.constant 0 : i32
    %dma_wait3A_89 = tpu.memref_slice %arg6[%dma_wait3A, %dma_wait3A_87, %dma_wait3A_88] : memref<5x128x128xf32, #tpu.memory_space<vmem>> -> memref<1x128x128xf32, #tpu.memory_space<vmem>>
    %dma_wait3A_90 = tpu.memref_squeeze %dma_wait3A_89 : memref<1x128x128xf32, #tpu.memory_space<vmem>> -> memref<128x128xf32, #tpu.memory_space<vmem>>
    %dma_wait3A_91 = arith.constant 0 : i32
    %dma_wait3A_92 = tpu.memref_slice %arg4[%mul3A_85, %dma_wait3A_91] : memref<819200x128xf32, #tpu.memory_space<hbm>> -> memref<128x128xf32, #tpu.memory_space<hbm>>
    %dma_wait3A_93 = tpu.memref_slice %arg8[%dma_wait3A_86] : memref<5x!tpu.dma_semaphore, #tpu.memory_space<semaphore_mem>> -> memref<1x!tpu.dma_semaphore, #tpu.memory_space<semaphore_mem>>
    %dma_wait3A_94 = tpu.memref_squeeze %dma_wait3A_93 : memref<1x!tpu.dma_semaphore, #tpu.memory_space<semaphore_mem>> -> memref<!tpu.dma_semaphore, #tpu.memory_space<semaphore_mem>>
    %dma_wait3A_95 = arith.constant 0 : i32
    %dma_wait3A_96 = tpu.memref_slice %arg4[%mul3A_85, %dma_wait3A_95] : memref<819200x128xf32, #tpu.memory_space<hbm>> -> memref<128x128xf32, #tpu.memory_space<hbm>>
    %dma_wait3A_97 = arith.constant 0 : i32
    %dma_wait3A_98 = arith.constant 0 : i32
    %dma_wait3A_99 = tpu.memref_slice %arg6[%dma_wait3A, %dma_wait3A_97, %dma_wait3A_98] : memref<5x128x128xf32, #tpu.memory_space<vmem>> -> memref<1x128x128xf32, #tpu.memory_space<vmem>>
    %dma_wait3A_100 = tpu.memref_squeeze %dma_wait3A_99 : memref<1x128x128xf32, #tpu.memory_space<vmem>> -> memref<128x128xf32, #tpu.memory_space<vmem>>
    tpu.wait_dma2 semaphore(%dma_wait3A_94 : memref<!tpu.dma_semaphore, #tpu.memory_space<semaphore_mem>>) src(%dma_wait3A_100 : memref<128x128xf32, #tpu.memory_space<vmem>>) dst(%dma_wait3A_96 : memref<128x128xf32, #tpu.memory_space<hbm>>)
    return
  }
}

</mosaic_0001>

<sc_bundles>
// kernel: kernel.3.cloned.1.call-start
scs
__scs_entry_jumppad:
0x0: {  	(pc) =	sbr.rel $0x88, $3  }
0x1: {  	(tag) =	ssettag $0x0;
	lr =	simm.s32 $0x1  }
0x2: {  	[smem:$0x3F9F] =	sst lr;
	_ =	strace $0xD0000000  }
0x3: {  	_ = 	snop  }
0x4: {  	_ = 	snop  }
0x5: {  	_ = 	snop  }
0x6: {  	_ = 	snop  }
0x7: {  	_ = 	snop  }
__scs_overlays_trampoline_lowered:
0x8: {  	[smem:$0x3FAE] =	sst s0  }
0x9: {  	[smem:$0x3FAF] =	sst s1  }
0xa: {  	[smem:$0x3FB0] =	sst s2  }
0xb: {  	[smem:$0x3FB1] =	sst s3  }
0xc: {  	[smem:$0x3FB2] =	sst s4  }
0xd: {  	[smem:$0x3FB3] =	sst s5  }
0xe: {  	[smem:$0x3FB4] =	sst s6  }
0xf: {  	[smem:$0x3FB5] =	sst s7  }
0x10: {  	[smem:$0x3FB6] =	sst s8  }
0x11: {  	[smem:$0x3FB7] =	sst s9;
	s0 =	simm.s32 @!p0 $0x0  }
0x12: {  	s1 =	sld [smem:$0x3F9D];
	s0 =	simm.s32 @p0 $0x1  }
0x13: {  	[smem:$0x3FB8] =	sst s0;
	s0 =	simm.s32 @!p1 $0x0  }
0x14: {  	s2 =	sld [smem:$0x3F9C];
	s0 =	simm.s32 @p1 $0x1  }
0x15: {  	[smem:$0x3FB9] =	sst s0;
	s0 =	simm.s32 @!p2 $0x0  }
0x16: {  	s3 =	sld [smem:$0x3FDB];
	s0 =	simm.s32 @p2 $0x1  }
0x17: {  	s4 =	simm.s32 $0x1BF5;
	[smem:$0x3FBB] =	sst s0  }
0x18: {  	s0 =	sld [smem:$0x3F9E];
	_ =	swait.ge [sflag:s4], $0x0  }
0x19: {  	s7 =	sld [smem:$0x3F9F]  }
0x1a: {  	s8 =	sadd.s32 $0xFFFFE003, lr  }
0x1b: {  	s9 =	sadd.s32 $0xFFFFFEF7, lr;
	s5 =	simm.s32 $0xFFFFFFFF;
	p2 =	slt.u32 s8, $0xFFFFF086  }
0x1c: {  	p1 =	slt.u32 s9, $0xF7A;
	s5 =	simm.s32 @!p2 $0x0  }
0x1d: {  	s5 =	simm.s32 @p1 $0x1;
	p0 =	seq.s32 s7, s2  }
0x1e: {  	s7 =	smul.u32 @!p0 $0xF7A, s2;
	p2 =	seq.s32 @!p0 s5, $0x0  }
0x1f: {  	s9 =	smul.u32 $0xF7A, s1;
	s8 =	simm.s32 @!p0 $0x1BF5;
	p2 =	por !p2, p0  }
0x20: {  	[sflag:s8] =	ssyncset.s32 @!p0 $0xFFFFF086;
	s6 =	sadd.s32 @!p0 s3, s7;
	s7 =	simm.s32 @!p0 $0x108  }
0x21: {  	s3 =	sadd.s32 s3, s9;
	s6 =	sadd.s32 @!p0 $0x88, s6;
	s7 =	simm.s32 @p2 $0x1082  }
0x22: {  	[simem:s7], [sflag:s8] =	dma.local @!p0 [hbm:s6], $0xF7A  }
0x23: {  	s9 =	sor.u32 $0xD0000000, s2;
	s6 =	simm.s32 $0x108;
	_ =	swait.ge @!p0 [sflag:s8], $0x0  }
0x24: {  	s3 =	sadd.s32 $0x88, s3;
	s6 =	simm.s32 @!p1 $0x1082;
	[sflag:s4] =	ssyncset.s32 $0xFFFFF086  }
0x25: {  	[simem:s6], [sflag:s4] =	dma.local [hbm:s3], $0xF7A  }
0x26: {  	[smem:$0x3F9F] =	sst s1;
	(tag) =	ssettag s2;
	_ =	strace s9  }
0x27: {  	s1 =	sld [smem:$0x3FAF]  }
0x28: {  	s2 =	sld [smem:$0x3FB0]  }
0x29: {  	s4 =	sld [smem:$0x3FB2]  }
0x2a: {  	p0 =	seq.s32 s5, $0x0;
	s5 =	sld [smem:$0x3FB3]  }
0x2b: {  	s6 =	sld [smem:$0x3FB4]  }
0x2c: {  	s7 =	sld [smem:$0x3FB5]  }
0x2d: {  	s3 =	simm.s32 $0x108;
	s8 =	sld [smem:$0x3FB6]  }
0x2e: {  	s3 =	simm.s32 @!p0 $0x1082;
	s9 =	sld [smem:$0x3FB7]  }
0x2f: {  	lr =	sadd.s32 s0, s3;
	s0 =	sld [smem:$0x3FAE]  }
0x30: {  	s3 =	sld [smem:$0x3FB1]  }
0x31: {  	[smem:$0x3FBA] =	sst s10  }
0x32: {  	s10 =	sld [smem:$0x3FB8];
	_ =	sdelay $0x3  }
0x33: {  	p0 =	seq.s32 s10, $0x1;
	s10 =	sld [smem:$0x3FBA];
	_ =	sdelay $0x3  }
0x34: {  	[smem:$0x3FBA] =	sst s10  }
0x35: {  	s10 =	sld [smem:$0x3FB9];
	_ =	sdelay $0x3  }
0x36: {  	p1 =	seq.s32 s10, $0x1;
	s10 =	sld [smem:$0x3FBA];
	_ =	sdelay $0x3  }
0x37: {  	[smem:$0x3FBA] =	sst s10  }
0x38: {  	s10 =	sld [smem:$0x3FBB]  }
0x39: {  	_ = 	snop;
	(pc) =	sbr.ind lr, $3  }
0x3a: {  	_ = 	snop  }
0x3b: {  	_ = 	snop  }
0x3c: {  	p2 =	seq.s32 s10, $0x1;
	s10 =	sld [smem:$0x3FBA]  }
0x3d: {  	_ =	shalt  }
0x3e: {  	_ =	shalt  }
0x3f: {  	_ =	shalt  }
0x40: {  	_ =	shalt  }
0x41: {  	_ =	shalt  }
0x42: {  	_ =	shalt  }
0x43: {  	_ =	shalt  }
0x44: {  	_ =	shalt  }
0x45: {  	_ =	shalt  }
0x46: {  	_ =	shalt  }
0x47: {  	_ =	shalt  }
0x48: {  	_ =	shalt  }
0x49: {  	_ =	shalt  }
0x4a: {  	_ =	shalt  }
0x4b: {  	_ =	shalt  }
0x4c: {  	_ =	shalt  }
0x4d: {  	_ =	shalt  }
0x4e: {  	_ =	shalt  }
0x4f: {  	_ =	shalt  }
0x50: {  	_ =	shalt  }
0x51: {  	_ =	shalt  }
0x52: {  	_ =	shalt  }
0x53: {  	_ =	shalt  }
0x54: {  	_ =	shalt  }
0x55: {  	_ =	shalt  }
0x56: {  	_ =	shalt  }
0x57: {  	_ =	shalt  }
0x58: {  	_ =	shalt  }
0x59: {  	_ =	shalt  }
0x5a: {  	_ =	shalt  }
0x5b: {  	_ =	shalt  }
0x5c: {  	_ =	shalt  }
0x5d: {  	_ =	shalt  }
0x5e: {  	_ =	shalt  }
0x5f: {  	_ =	shalt  }
0x60: {  	_ =	shalt  }
0x61: {  	_ =	shalt  }
0x62: {  	_ =	shalt  }
0x63: {  	_ =	shalt  }
0x64: {  	_ =	shalt  }
0x65: {  	_ =	shalt  }
0x66: {  	_ =	shalt  }
0x67: {  	_ =	shalt  }
0x68: {  	_ =	shalt  }
0x69: {  	_ =	shalt  }
0x6a: {  	_ =	shalt  }
0x6b: {  	_ =	shalt  }
0x6c: {  	_ =	shalt  }
0x6d: {  	_ =	shalt  }
0x6e: {  	_ =	shalt  }
0x6f: {  	_ =	shalt  }
0x70: {  	_ =	shalt  }
0x71: {  	_ =	shalt  }
0x72: {  	_ =	shalt  }
0x73: {  	_ =	shalt  }
0x74: {  	_ =	shalt  }
0x75: {  	_ =	shalt  }
0x76: {  	_ =	shalt  }
0x77: {  	_ =	shalt  }
0x78: {  	_ =	shalt  }
0x79: {  	_ =	shalt  }
0x7a: {  	_ =	shalt  }
0x7b: {  	_ =	shalt  }
0x7c: {  	_ =	shalt  }
0x7d: {  	_ =	shalt  }
0x7e: {  	_ =	shalt  }
0x7f: {  	_ =	shalt  }
0x80: {  	_ =	shalt  }
0x81: {  	_ =	shalt  }
0x82: {  	_ =	shalt  }
0x83: {  	_ =	shalt  }
0x84: {  	_ =	shalt  }
0x85: {  	_ =	shalt  }
0x86: {  	_ =	shalt  }
0x87: {  	_ =	shalt  }
.Lfunc_end0:
.L_simem_size_0:
called_computation_lowered:
.L_overlay_start_0:
0x88: {  	s2 =	sld [smem:$0x3FD9]  }
0x89: {  	s3 =	sld [smem:$0x3FFE];
	_ =	sdelay $0x1  }
0x8a: {  	s1 =	srdreg.scid  }
0x8b: {  	s0 =	sand.u32 $0x1, s1  }
0x8c: {  	s17 =	sshll.u32 s0, $0xA;
	s2 =	sadd.s32 s3, s2  }
0x8d: {  	s2 =	sadd.s32 s2, s17  }
0x8e: {  	[smem:$0x3FC6] =	sst s2  }
0x8f: {  	_ = 	snop  }
0x90: {  	s2 =	sld [smem:$0x3FC8]  }
0x91: {  	s18 =	sld [smem:$0x3FD0];
	(tm) =	ssettm $0x1  }
0x92: {  	s4 =	sld [smem:$0x3FFB];
	_ =	sdelay $0x3  }
0x93: {  	_ =	strace s4  }
0x94: {  	s4 =	sld [smem:$0x3FFC];
	_ =	sdelay $0x3  }
0x95: {  	_ =	strace s4  }
0x96: {  	s4 =	sld [smem:$0x3FFD];
	_ =	sdelay $0x3  }
0x97: {  	_ =	strace s4  }
0x98: {  	_ =	strace $0x8FFFFFFF  }
0x99: {  	s19 =	sld [smem:$0x3FDB];
	_ =	sdelay $0x1  }
0x9a: {  	s5 =	simm.s32 $_scs_section_size  }
0x9b: {  	s6 =	simm.s32 $_size__tile_overlayer_lowered;
	s7 =	simm.s32 $_tile_overlayer_lowered  }
0x9c: {  	s22 =	simm.s32 $0x1BFF;
	s21 =	sshll.u32 s7, $0x1;
	s4 =	sadd.s32 s5, s19  }
0x9d: {  	s8 =	simm.s32 $0x0;
	s20 =	sshll.u32 s6, $0x1;
	s6 =	sadd.s32 s21, s4  }
0x9e: {  	[timem:s8], [sflag:s22] =	dma.local [hbm:s6], s20  }
0x9f: {  	_ =	swait.ge [sflag:s22], s20  }
0xa0: {  	s5 =	ssub.s32 $0x0, s20;
	[sflag:s22] =	ssyncset.done $0x0  }
0xa1: {  	[sflag:s22] =	ssyncadd.s32 s5;
	_ =	sdelay $0x1  }
0xa2: {  	s23 =	simm.s32 $0x1B8B  }
0xa3: {  	_ =	swait.ge [sflag:s23], $0x1  }
0xa4: {  	[sflag:s23] =	ssyncset.done $0x0  }
0xa5: {  	s25 =	simm.s32 $0x1B8E;
	s24 =	sld [smem:$0x3FFE];
	[sflag:s23] =	ssyncadd.s32 $0xFFFFFFFF  }
0xa6: {  	s26 =	simm.s32 $execute0_lowered;
	[smem:$0x3FD2] =	sst s25  }
0xa7: {  	s6 =	sshll.u32 s26, $0x1;
	_ =	strace $0x80000046;
	[dreg:$0x1] =	wrdreg $0xFFFFFFFF  }
0xa8: {  	s28 =	simm.s32 $_size_execute0_lowered;
	s4 =	sadd.s32 s4, s6;
	[dreg:$0x0] =	wrdreg $0x0  }
0xa9: {  	s6 =	sshll.u32 s28, $0x1;
	[dreg:$0x2] =	wrdreg s4  }
0xaa: {  	[dreg:$0x3] =	wrdreg s6  }
0xab: {  	[dreg:$0x4] =	wrdreg $0xC0  }
0xac: {  	_ =	task [dreg:s8], $0x5FFFF  }
0xad: {  	[dreg:$0x1] =	wrdreg $0xFFFFFFFF  }
0xae: {  	[dreg:$0x0] =	wrdreg $0x60  }
0xaf: {  	[dreg:$0x2] =	wrdreg s24  }
0xb0: {  	[dreg:$0x3] =	wrdreg s2  }
0xb1: {  	[dreg:$0x4] =	wrdreg s18  }
0xb2: {  	[dreg:$0x5] =	wrdreg $0x9  }
0xb3: {  	_ =	task.clear_ibuf [dreg:s8], $0x6FFFF;
	_ =	strace $0x90000046  }
0xb4: {  	s29 =	simm.s32 $0x9;
	_ =	strace $0x80000048  }
0xb5: {  	_ =	swait.ge [sflag:s29], $0x1  }
0xb6: {  	[sflag:s29] =	ssyncadd.s32 $0xFFFFFFFF  }
0xb7: {  	_ =	strace $0x90000048  }
0xb8: {  	_ =	sfence  }
0xb9: {  	s30 =	sld [smem:$0x0];
	_ =	sdelay $0x2  }
0xba: {  	s31 =	sshll.u32 s1, $0xD;
	s1 =	sshrl.u32 s1, $0x2  }
0xbb: {  	s3 =	sand.u32 $0x4000, s31;
	s1 =	sadd.s32 s1, s30  }
0xbc: {  	s0 =	sor.u32 s3, s0;
	s1 =	sshll.u32 s1, $0x11  }
0xbd: {  	s0 =	sor.u32 s1, s0  }
0xbe: {  	s0 =	sadd.s32 $0x8F2B, s0  }
0xbf: {  	[sflag:s0] =	ssyncadd.remote.s32 $0x1  }
0xc0: {  	_ =	sfence.sel $0xFFFF  }
0xc1: {  	[dreg:$0x0] =	wrdreg $0xFFFFFFFF;
	(pc) =	sbr.abs _section_cstart, $3  }
0xc2: {  	[dreg:$0x1] =	wrdreg $0xFFFFFFFF  }
0xc3: {  	_ =	task.clear_ibuf [dreg:s8], $0x2FFFF;
	_ =	strace $0x9FFFFFFF  }
0xc4: {  	(tm) =	ssettm $0x7FFFFFFF  }
0xc5: {  	_ =	shalt  }
tec
execute0_lowered:
.L_overlay_start_1:
0x0: {  	(tag) =	ssettag $0x1  }
0x1: {  	s1 =	srdreg.scid;
	s5 =	rddreg [dreg:$0x0]  }
0x2: {  	s0 =	stileid.u32;
	s2 =	rddreg [dreg:$0x1]  }
0x3: {  	s11 =	simm.s32 $0x6400;
	s12 =	simm.s32 $0xA400;
	s14 =	simm.s32 $0xE400  }
0x4: {  	s16 =	simm.s32 $0x12400;
	s18 =	simm.s32 $0x16400;
	s19 =	simm.s32 $0x1  }
0x5: {  	s20 =	simm.s32 $0x2;
	s21 =	simm.s32 $0x6;
	s22 =	simm.s32 $0x3  }
0x6: {  	s23 =	simm.s32 $0x7;
	s24 =	simm.s32 $0x4;
	s7 =	smul.u32 $0x190, s0  }
0x7: {  	s25 =	simm.s32 $0x8;
	s1 =	sand.u32 $0x1, s1;
	s10 =	smul.u32 $0xC8000, s0  }
0x8: {  	s26 =	simm.s32 $0x5;
	s3 =	sshll.u32 s0, $0x1;
	s8 =	smul.u32 $0xC8, s1  }
0x9: {  	s4 =	sor.u32 s1, s3;
	s9 =	ssub.s32 $0x2, s1;
	s1 =	smul.u32 $0x64000, s1  }
0xa: {  	s28 =	simm.s32 $0x9;
	s29 =	simm.s32 $0xA;
	s6 =	smul.u32 $0xC80, s4  }
.Ltmp0:
0xb: {  	s30 =	simm.s32 $0x0;
	s4 =	simm.s32 $0x0;
	(pc) =	sbr.rel .LBB2_1-.Ltmp0, $4  }
0xc: {  	s31 =	sshrl.u32 s9, $0x1;
	[smem:$0x7FF] =	sst s4;
	s7 =	sadd.s32 s8, s7  }
0xd: {  	s8 =	sadd.s32 s1, s10;
	s10 =	simm.s32 $0x80;
	_ =	strace $0x80000047  }
0xe: {  	s5 =	sadd.s32 s6, s5;
	s6 =	ssub.s32 s9, s31;
	s7 =	sshll.u32 s7, $0xB  }
0xf: {  	s9 =	simm.s32 $0xB;
	s5 =	sadd.s32 $0x400, s5;
	s6 =	smax.u32 s6, $0x1  }
.LBB2_4:
0x10: {  	s30 =	sadd.s32 $0x1, s30  }
0x11: {  	p0 =	sne.s32 s30, s6  }
.Ltmp1:
0x12: {  	_ = 	snop;
	(pc) =	sbr.rel @!p0 .LBB2_5-.Ltmp1, $4  }
0x13: {  	_ = 	snop  }
0x14: {  	_ =	swait.ge [sflag:s29], $0x4000  }
0x15: {  	[sflag:s29] =	ssyncset.done $0x0  }
0x16: {  	[sflag:s29] =	ssyncadd.s32 $0xFFFFC000  }
.LBB2_1:
0x17: {  	[tilespmem:s4], [sflag:$0xB] =	stream.linear.gather [hbm4b:s5+s4], $0x6400, $0x38;
	[tilespmem:$0x1A400] =	vst v63  }
0x18: {  	_ =	swait.ge [sflag:s9], $0x6400  }
0x19: {  	[sflag:s9] =	ssyncset.done $0x0  }
0x1a: {  	[sflag:s9] =	ssyncadd.s32 $0xFFFF9C00  }
0x1b: {  	[tilespmem:s11], [sflag:$0x1] =	stream.indirect.gather [hbm4b:s2+s10], $0x80, s4, s10, $0xb8;
	[tilespmem:$0x1A400] =	vst v63  }
0x1c: {  	_ = 	snop  }
0x1d: {  	[tilespmem:s12], [sflag:$0x2] =	stream.indirect.gather [hbm4b:s2+s10], $0x80, s10, s10, $0xb8;
	[tilespmem:$0x1A400] =	vst v63  }
0x1e: {  	s0 =	simm.s32 $0x100  }
0x1f: {  	[tilespmem:s14], [sflag:$0x3] =	stream.indirect.gather [hbm4b:s2+s10], $0x80, s0, s10, $0xb8;
	[tilespmem:$0x1A400] =	vst v63  }
0x20: {  	s15 =	simm.s32 $0x180  }
0x21: {  	[tilespmem:s16], [sflag:$0x4] =	stream.indirect.gather [hbm4b:s2+s10], $0x80, s15, s10, $0xb8;
	[tilespmem:$0x1A400] =	vst v63  }
0x22: {  	s17 =	simm.s32 $0x200;
	s1 =	simm.s32 $0x0;
	s31 =	rddreg [dreg:$0x2]  }
0x23: {  	[tilespmem:s18], [sflag:$0x5] =	stream.indirect.gather [hbm4b:s2+s10], $0x80, s17, s10, $0xb8;
	[tilespmem:$0x1A400] =	vst v63  }
.LBB2_2:
0x24: {  	_ =	swait.ge [sflag:s19], $0x4000  }
0x25: {  	[sflag:s19] =	ssyncset.done $0x0  }
0x26: {  	s0 =	sadd.s32 s31, s8;
	p0 =	seq.s32 s1, $0x0;
	[sflag:s19] =	ssyncadd.s32 $0xFFFFC000  }
0x27: {  	[hbm4b:s0+s4] =	stream.linear.scatter [tilespmem:s11], [sflag:$0x6], $0x4000, $0x38;
	[tilespmem:$0x1A400] =	vst v63  }
0x28: {  	s0 =	simm.s32 @!p0 $0xA  }
0x29: {  	_ =	swait.ge @!p0 [sflag:s0], $0x4000  }
0x2a: {  	[sflag:s0] =	ssyncset.done @!p0 $0x0  }
0x2b: {  	[sflag:s0] =	ssyncadd.s32 @!p0 $0xFFFFC000;
	s0 =	sshra.s32 @!p0 s1, $0x2  }
0x2c: {  	s3 =	simm.s32 @!p0 $0x80;
	s13 =	simm.s32 @!p0 $0x16400;
	s0 =	sadd.s32 @!p0 $0x200, s0  }
0x2d: {  	[tilespmem:s13], [sflag:$0x5] =	stream.indirect.gather @!p0 [hbm4b:s2+s3], $0x80, s0, s3, $0xb8;
	[tilespmem:$0x1A400] =	vst v63  }
0x2e: {  	_ =	swait.ge [sflag:s20], $0x4000  }
0x2f: {  	s0 =	sadd.s32 s31, s7;
	[sflag:s20] =	ssyncset.done $0x0  }
0x30: {  	s15 =	sadd.s32 $0x800, s0;
	[sflag:s20] =	ssyncadd.s32 $0xFFFFC000  }
0x31: {  	[hbm4b:s15+s4] =	stream.linear.scatter [tilespmem:s12], [sflag:$0x7], $0x4000, $0x38;
	[tilespmem:$0x1A400] =	vst v63  }
0x32: {  	p0 =	seq.s32 s1, $0x18600;
	_ =	swait.ge [sflag:s21], $0x4000  }
0x33: {  	s3 =	sshra.s32 @!p0 s1, $0x2;
	s17 =	simm.s32 @!p0 $0x6400;
	[sflag:s21] =	ssyncset.done $0x0  }
0x34: {  	s13 =	sadd.s32 @!p0 $0x280, s3;
	s15 =	simm.s32 @!p0 $0x80;
	[sflag:s21] =	ssyncadd.s32 $0xFFFFC000  }
0x35: {  	[tilespmem:s17], [sflag:$0x1] =	stream.indirect.gather @!p0 [hbm4b:s2+s15], $0x80, s13, s15, $0xb8;
	[tilespmem:$0x1A400] =	vst v63  }
0x36: {  	_ =	swait.ge [sflag:s22], $0x4000  }
0x37: {  	[sflag:s22] =	ssyncset.done $0x0  }
0x38: {  	s17 =	sadd.s32 $0x1000, s0;
	[sflag:s22] =	ssyncadd.s32 $0xFFFFC000  }
0x39: {  	[hbm4b:s17+s4] =	stream.linear.scatter [tilespmem:s14], [sflag:$0x8], $0x4000, $0x38;
	[tilespmem:$0x1A400] =	vst v63  }
0x3a: {  	_ =	swait.ge [sflag:s23], $0x4000  }
0x3b: {  	[sflag:s23] =	ssyncset.done $0x0  }
0x3c: {  	s13 =	sadd.s32 @!p0 $0x300, s3;
	s17 =	simm.s32 @!p0 $0xA400;
	[sflag:s23] =	ssyncadd.s32 $0xFFFFC000  }
0x3d: {  	[tilespmem:s17], [sflag:$0x2] =	stream.indirect.gather @!p0 [hbm4b:s2+s15], $0x80, s13, s15, $0xb8;
	[tilespmem:$0x1A400] =	vst v63  }
0x3e: {  	_ =	swait.ge [sflag:s24], $0x4000  }
0x3f: {  	[sflag:s24] =	ssyncset.done $0x0  }
0x40: {  	s17 =	sadd.s32 $0x1800, s0;
	[sflag:s24] =	ssyncadd.s32 $0xFFFFC000  }
0x41: {  	[hbm4b:s17+s4] =	stream.linear.scatter [tilespmem:s16], [sflag:$0x9], $0x4000, $0x38;
	[tilespmem:$0x1A400] =	vst v63  }
0x42: {  	_ =	swait.ge [sflag:s25], $0x4000  }
0x43: {  	[sflag:s25] =	ssyncset.done $0x0  }
0x44: {  	s3 =	sadd.s32 @!p0 $0x380, s3;
	s13 =	simm.s32 @!p0 $0xE400;
	[sflag:s25] =	ssyncadd.s32 $0xFFFFC000  }
0x45: {  	[tilespmem:s13], [sflag:$0x3] =	stream.indirect.gather @!p0 [hbm4b:s2+s15], $0x80, s3, s15, $0xb8;
	[tilespmem:$0x1A400] =	vst v63  }
0x46: {  	_ =	swait.ge [sflag:s26], $0x4000  }
0x47: {  	[sflag:s26] =	ssyncset.done $0x0  }
.Ltmp2:
0x48: {  	s0 =	sadd.s32 $0x2000, s0;
	[sflag:s26] =	ssyncadd.s32 $0xFFFFC000;
	(pc) =	sbr.rel @p0 .LBB2_4-.Ltmp2, $4  }
0x49: {  	[hbm4b:s0+s4] =	stream.linear.scatter [tilespmem:s18], [sflag:$0xA], $0x4000, $0x38;
	[tilespmem:$0x1A400] =	vst v63  }
0x4a: {  	_ =	swait.ge [sflag:s28], $0x4000  }
0x4b: {  	[sflag:s28] =	ssyncset.done $0x0  }
0x4c: {  	[sflag:s28] =	ssyncadd.s32 $0xFFFFC000  }
.Ltmp3:
0x4d: {  	(pc) =	sbr.rel .LBB2_2-.Ltmp3, $4  }
0x4e: {  	_ = 	snop  }
0x4f: {  	s0 =	sshra.s32 s1, $0x2  }
0x50: {  	s1 =	sadd.s32 $0xA00, s1;
	s31 =	sadd.s32 $0x2800, s31;
	s0 =	sadd.s32 $0x400, s0  }
0x51: {  	[tilespmem:s16], [sflag:$0x4] =	stream.indirect.gather [hbm4b:s2+s10], $0x80, s0, s10, $0xb8;
	[tilespmem:$0x1A400] =	vst v63  }
.LBB2_5:
0x52: {  	_ =	sfence.sel $0x180000  }
0x53: {  	[bflag:$0x0] =	sbarrier.arrive $0xFFFF  }
0x54: {  	_ =	strace $0x90000047  }
0x55: {  	s0 =	stileid.u32;
	[bflag:$0x2] =	sbarrier.arrive $0xFFFF  }
0x56: {  	p0 =	sne.s32 s0, $0x0;
	s0 =	rddreg [dreg:$0x3]  }
0x57: {  	s0 =	sadd.s32 @!p0 $0x100000, s0  }
0x58: {  	[sflag:s0] =	ssyncadd.tile.s32 @!p0 $0x1;
	_ =	shalt  }
.Lfunc_end2:
_tile_overlayer_lowered:
.L_overlay_start_2:
0x59: {  	(tag) =	ssettag $0x2  }
0x5a: {  	s0 =	rddreg [dreg:$0x0];
	s2 =	stileid.u32  }
0x5b: {  	s1 =	rddreg [dreg:$0x1];
	p0 =	sne.s32 s2, $0x0  }
0x5c: {  	s3 =	rddreg [dreg:$0x2];
	[bflag:$0x3] =	sbarrier.arrive $0xFFFF;
	s2 =	simm.s32 @!p0 $0x1C0B  }
0x5d: {  	[timem:s3], [sflag:s2] =	dma.local @!p0 [hbm:s0], s1  }
0x5e: {  	s0 =	simm.s32 @!p0 $0xB  }
0x5f: {  	_ =	swait.ge @!p0 [sflag:s0], s1  }
0x60: {  	s1 =	ssub.s32 @!p0 $0x0, s1;
	[sflag:s0] =	ssyncset.done @!p0 $0x0  }
0x61: {  	[sflag:s0] =	ssyncadd.s32 @!p0 s1  }
0x62: {  	[bflag:$0x3] =	sbarrier.arrive $0xFFFF  }
0x63: {  	_ =	shalt  }

</sc_bundles>
